<compile_context>
chip_gen: v7x
topology: tpu7x:2x2x1
jax: 0.10.2.dev20260603
libtpu: 0.0.44.dev20260713+nightly
codegen_flags: <defaults>
</compile_context>

<pallas_src>
import functools

import jax
import jax.numpy as jnp
from jax import lax
from jax.experimental import pallas as pl
from jax.experimental.pallas import tpu as pltpu
from jax.experimental.pallas import tpu_sc as plsc

K = 512
VPAD = 100352
CHUNK = 1024
CAP = 2048
NB = 1024
NC, NS, L = 2, 16, 16
NW = NC * NS

HIST_LO = -3.0e-5
HIST_HI = 0.0310
BIN_W = (HIST_HI - HIST_LO) / NB


def _dist_body(sw_ref, sw2_ref, w_ref, w2_ref, out_ref):
    sw = sw_ref[...]
    wc = w_ref[...]
    ww = 2.0 * lax.dot_general(
        sw, wc, (((1,), (1,)), ((), ())),
        preferred_element_type=jnp.float32)
    sw2 = sw2_ref[...]
    w2 = w2_ref[...]
    out_ref[...] = (sw2 - ww) + w2


def _distances(sample_w, sample_w2, wpad, w2pad):
    B = sample_w.shape[0]
    grid = VPAD // CHUNK
    return pl.pallas_call(
        _dist_body,
        grid=(grid,),
        in_specs=[
            pl.BlockSpec((B, 128), lambda c: (0, 0)),
            pl.BlockSpec((B, 1), lambda c: (0, 0)),
            pl.BlockSpec((CHUNK, 128), lambda c: (c, 0)),
            pl.BlockSpec((1, CHUNK), lambda c: (0, c)),
        ],
        out_specs=pl.BlockSpec((B, CHUNK), lambda c: (0, c)),
        out_shape=jax.ShapeDtypeStruct((B, VPAD), jnp.float32),
    )(sample_w, sample_w2, wpad, w2pad)


def _sc_select(dis):
    B = dis.shape[0]
    rows_per_w = B // NW
    nvec = VPAD // L

    mesh = plsc.VectorSubcoreMesh(core_axis_name="c", subcore_axis_name="s")

    @functools.partial(
        pl.kernel,
        mesh=mesh,
        out_type=[
            jax.ShapeDtypeStruct((B, CAP), jnp.float32),
            jax.ShapeDtypeStruct((B, CAP), jnp.int32),
            jax.ShapeDtypeStruct((B, L), jnp.int32),
        ],
        scratch_types=[
            pltpu.VMEM((VPAD,), jnp.float32),
            pltpu.VMEM((L * NB,), jnp.int32),
            pltpu.VMEM((CAP,), jnp.float32),
            pltpu.VMEM((CAP,), jnp.int32),
            pltpu.VMEM((L,), jnp.int32),
        ],
        compiler_params=pltpu.CompilerParams(needs_layout_passes=False),
    )
    def select(dis_hbm, cvals_hbm, cidx_hbm, cnt_hbm,
               row_v, hist_v, cvals_v, cidx_v, cnt_v):
        wid = lax.axis_index("s") * NC + lax.axis_index("c")
        lane = lax.broadcasted_iota(jnp.int32, (L,), 0)
        ones = jnp.ones((L,), jnp.int32)
        zeros = jnp.zeros((L,), jnp.int32)
        inf16 = jnp.full((L,), jnp.inf, jnp.float32)

        def per_row(r_local, _):
            row = wid * rows_per_w + r_local
            pltpu.sync_copy(dis_hbm.at[row], row_v)

            def zero_hist(j, _):
                hist_v[pl.ds(j * L, L)] = zeros
                return 0
            lax.fori_loop(0, (L * NB) // L, zero_hist, 0)

            def hist_body(i, _):
                v = row_v[pl.ds(i * (4 * L), L)]
                v = jnp.minimum(jnp.maximum(v, HIST_LO),
                                HIST_LO + (NB - 0.5) * BIN_W)
                b = ((v - HIST_LO) * (1.0 / BIN_W)).astype(jnp.int32)
                plsc.addupdate_scatter(hist_v, [lane * NB + b], ones)
                return 0
            lax.fori_loop(0, nvec // 4, hist_body, 0)

            def cum_body(c, carry):
                cum_carry, nbins_ge = carry
                acc = hist_v[pl.ds(c * L, L)]
                for l in range(1, L):
                    acc = acc + hist_v[pl.ds(l * NB + c * L, L)]
                cum = cum_carry + plsc.cumsum(acc)
                ge = plsc.all_reduce_population_count(cum >= 220)
                cum_carry = cum_carry + jnp.broadcast_to(jnp.sum(acc), (L,))
                return (cum_carry, nbins_ge + ge)
            _, nbins_ge = lax.fori_loop(
                0, NB // L, cum_body,
                (jnp.zeros((L,), jnp.int32), jnp.zeros((L,), jnp.int32)))
            bin_idx = NB - jnp.max(nbins_ge)
            thr = HIST_LO + (bin_idx.astype(jnp.float32) + 2.0) * BIN_W

            def prefill(j, _):
                cvals_v[pl.ds(j * L, L)] = inf16
                return 0
            lax.fori_loop(0, CAP // L, prefill, 0)

            def compact_body(i, base):
                v = row_v[pl.ds(i * L, L)]
                m = v <= thr
                mi = jnp.where(m, 1, 0)
                offs = base + plsc.cumsum(mi) - 1
                okm = jnp.logical_and(m, offs < CAP)
                plsc.store_scatter(cvals_v, [offs], v, mask=okm)
                plsc.store_scatter(cidx_v, [offs], lane + i * L, mask=okm)
                return base + plsc.all_reduce_population_count(m)
            count = lax.fori_loop(0, nvec, compact_body, zeros)

            cnt_v[...] = count
            pltpu.sync_copy(cvals_v, cvals_hbm.at[row])
            pltpu.sync_copy(cidx_v, cidx_hbm.at[row])
            pltpu.sync_copy(cnt_v, cnt_hbm.at[row])
            return 0

        lax.fori_loop(0, rows_per_w, per_row, 0)

    return select(dis)


def _sc_gather(table, idx_flat):
    NR = idx_flat.shape[0]
    D = table.shape[1]
    per_w = NR // NW
    CH = 128
    nch = per_w // CH

    mesh = plsc.VectorSubcoreMesh(core_axis_name="c", subcore_axis_name="s")

    @functools.partial(
        pl.kernel,
        mesh=mesh,
        out_type=jax.ShapeDtypeStruct((NR, D), jnp.float32),
        scratch_types=[
            pltpu.VMEM((CH,), jnp.int32),
            pltpu.VMEM((CH, D), jnp.float32),
            pltpu.SemaphoreType.DMA,
        ],
        compiler_params=pltpu.CompilerParams(needs_layout_passes=False),
    )
    def g(table_hbm, idx_hbm, out_hbm, idx_v, rows_v, sem):
        wid = lax.axis_index("s") * NC + lax.axis_index("c")

        def chunk(i, _):
            base = wid * per_w + i * CH
            pltpu.sync_copy(idx_hbm.at[pl.ds(base, CH)], idx_v)
            pltpu.async_copy(table_hbm.at[idx_v], rows_v, sem).wait()
            pltpu.sync_copy(rows_v, out_hbm.at[pl.ds(base, CH)])
            return 0

        lax.fori_loop(0, nch, chunk, 0)

    return g(table, idx_flat)


def _tail_body(w_ref, mu_ref, var_ref, x_ref, dens_ref, nt_ref, score_ref):
    w = w_ref[...]
    mu = mu_ref[...][:, None, :]
    var = var_ref[...][:, None, :]
    x = x_ref[...][:, None, :]
    dens = jnp.exp(-((w - mu) ** 2) / (2.0 * var))
    dens_ref[...] = dens
    s = jnp.clip(jnp.sum(dens, axis=1, keepdims=True), 1e-08, None)
    confid = dens / s
    maxc = jnp.max(confid, axis=1, keepdims=True)
    nt = (confid >= jnp.clip(maxc * 0.5, None, 0.1)).astype(jnp.float32)
    nt_ref[...] = nt
    score_ref[...] = jnp.sum(w * nt * x, axis=2)


def _tail(topk_weight, mu, var, x):
    B, _, d = topk_weight.shape
    RB = 8
    grid = B // RB
    return pl.pallas_call(
        _tail_body,
        grid=(grid,),
        in_specs=[
            pl.BlockSpec((RB, K, d), lambda r: (r, 0, 0)),
            pl.BlockSpec((RB, d), lambda r: (r, 0)),
            pl.BlockSpec((RB, d), lambda r: (r, 0)),
            pl.BlockSpec((RB, d), lambda r: (r, 0)),
        ],
        out_specs=[
            pl.BlockSpec((RB, K, d), lambda r: (r, 0, 0)),
            pl.BlockSpec((RB, K, d), lambda r: (r, 0, 0)),
            pl.BlockSpec((RB, K), lambda r: (r, 0)),
        ],
        out_shape=[
            jax.ShapeDtypeStruct((B, K, d), jnp.float32),
            jax.ShapeDtypeStruct((B, K, d), jnp.float32),
            jax.ShapeDtypeStruct((B, K), jnp.float32),
        ],
    )(topk_weight, mu, var, x)


def kernel(x, mu, var, labels, weight, bias):
    B, d = x.shape
    V = weight.shape[0]
    wpad = jnp.pad(weight, ((0, VPAD - V), (0, 0)))
    sample_weight = jnp.take(weight, labels, axis=0)
    sample_w2 = jnp.sum(sample_weight ** 2, axis=1, keepdims=True)
    w2 = jnp.sum(weight ** 2, axis=1)
    w2pad = jnp.pad(w2, (0, VPAD - V), constant_values=jnp.inf)[None, :]

    dis = _distances(sample_weight, sample_w2, wpad, w2pad)
    cvals, cidx, counts = _sc_select(dis)

    cnt = counts[:, 0]
    ok = jnp.logical_and(jnp.all(cnt >= K), jnp.all(cnt <= CAP))

    def _fast(ops):
        cvals, cidx, _ = ops
        _, pos = lax.top_k(-cvals, K)
        return jnp.take_along_axis(cidx, pos, axis=1)

    def _slow(ops):
        _, _, dis = ops
        _, idx = lax.top_k(-dis, K)
        return idx

    topk_indice = lax.cond(ok, _fast, _slow, (cvals, cidx, dis))

    topk_weight = _sc_gather(wpad, topk_indice.reshape(-1)).reshape(B, K, d)
    topk_bias = jnp.take(bias, topk_indice, axis=0)
    all_class_density, nt_f32, score0 = _tail(topk_weight, mu, var, x)
    nontrivial = nt_f32 > 0.0
    score = score0 + topk_bias
    return (score, topk_indice, all_class_density, nontrivial)

# --- scband reference (transcript-rebuilt; emitter-appended) ---
"""Pipeline reference for scband-softmax-20684562497971 (READ-ONLY COPY).

The authoritative reference and input builder live on the scoring server;
editing this copy changes nothing except your own understanding.
"""

import jax, jax.numpy as jnp
import numpy as np

IN_FEATURES = 128
OUT_FEATURES = 100000
BATCH = 1024
K = 512

def setup_inputs(seed: int = 0) -> dict:
    key = jax.random.key(seed)
    k1, k2, k3, k4, k5 = jax.random.split(key, 5)
    x = jax.random.normal(k1, (BATCH, IN_FEATURES), dtype=jnp.float32)
    mu = jax.random.normal(k2, (BATCH, IN_FEATURES), dtype=jnp.float32)
    var = jax.random.uniform(k3, (BATCH, IN_FEATURES), dtype=jnp.float32)
    labels = jax.random.randint(k4, (BATCH,), 0, OUT_FEATURES, dtype=jnp.int64 if jax.config.jax_enable_x64 else jnp.int32)
    # xavier_uniform init for weight, zeros for bias
    bound = float(np.sqrt(6.0 / (IN_FEATURES + OUT_FEATURES)))
    weight = jax.random.uniform(k5, (OUT_FEATURES, IN_FEATURES), dtype=jnp.float32, minval=-bound, maxval=bound)
    bias = jnp.zeros((OUT_FEATURES,), dtype=jnp.float32)
    return {"x": x, "mu": mu, "var": var, "labels": labels, "weight": weight, "bias": bias}

def find_confounders(w, sample_w, k):
    # euclidean distance, smallest-k
    sample_w2 = jnp.sum(sample_w ** 2, axis=1, keepdims=True)
    w2 = jnp.sum(w ** 2, axis=1)[None, :]
    ww = 2.0 * jnp.matmul(sample_w, w.T)
    dis = sample_w2 - ww + w2
    _, indices = jax.lax.top_k(-dis, k)
    return indices

def reference(x, mu, var, labels, weight, bias):
    sample_weight = jnp.take(weight, labels, axis=0)                     # [B, d] gather
    topk_indice = find_confounders(weight, sample_weight, K)              # [B, K]
    topk_weight = jnp.take(weight, topk_indice, axis=0)                   # [B, K, d] gather
    topk_bias = jnp.take(bias, topk_indice, axis=0)                       # [B, K]
    all_class_density = jnp.exp(-((topk_weight - mu[:, None, :]) ** 2) / (2.0 * var[:, None, :]))
    confid = all_class_density / jnp.clip(jnp.sum(all_class_density, axis=1, keepdims=True), 1e-08, None)
    max_confid = jnp.max(confid, axis=1, keepdims=True)
    nontrivial = (confid >= jnp.clip(max_confid * 0.5, None, 0.1))
    masked = topk_weight * nontrivial.astype(topk_weight.dtype)           # [B, K, d]
    score = jnp.squeeze(jnp.matmul(x[:, None, :], jnp.transpose(masked, (0, 2, 1))), axis=1) + topk_bias
    return (score, topk_indice, all_class_density, nontrivial)

if __name__ == "__main__":
    import jax
    _d = setup_inputs()
    print(jax.jit(kernel)(*tuple(_d.values())))

</pallas_src>

<mosaic_0001>
#map = affine_map<(d0, d1) -> (0, 0)>
module attributes {stable_mosaic.version = 14 : i64} {
  func.func @select(%arg0: i32, %arg1: i32, %arg2: memref<1024x100352xf32, #tpu.memory_space<hbm>>, %arg3: memref<1024x2048xf32, #tpu.memory_space<hbm>>, %arg4: memref<1024x2048xi32, #tpu.memory_space<hbm>>, %arg5: memref<1024x16xi32, #tpu.memory_space<hbm>>, %arg6: memref<100352xf32, #tpu.memory_space<vmem>>, %arg7: memref<16384xi32, #tpu.memory_space<vmem>>, %arg8: memref<2048xf32, #tpu.memory_space<vmem>>, %arg9: memref<2048xi32, #tpu.memory_space<vmem>>, %arg10: memref<16xi32, #tpu.memory_space<vmem>>) attributes {dimension_semantics = [#tpu.dimension_semantics<core_parallel>, #tpu.dimension_semantics<subcore_parallel>], iteration_bounds = array<i64: 2, 16>, scalar_prefetch = 0 : i64, scratch_operands = 5 : i64, tpu.core_type = #tpu.core_type<sc_vector_subcore>, window_params = [{transform_indices = #map}, {transform_indices = #map}, {transform_indices = #map}, {transform_indices = #map}]} {
    %mul3A = arith.constant 2 : i32
    %mul3A_0 = arith.muli %arg1, %mul3A : i32
    %add3A = arith.addi %mul3A_0, %arg0 : i32
    %iota3A = tpu.iota {dimensions = array<i32: 0>} : vector<16xi32>
    %broadcast_in_dim3A = arith.constant 1 : i32
    %broadcast_in_dim3A_1 = vector.broadcast %broadcast_in_dim3A : i32 to vector<16xi32>
    %broadcast_in_dim3A_2 = arith.constant 0 : i32
    %broadcast_in_dim3A_3 = vector.broadcast %broadcast_in_dim3A_2 : i32 to vector<16xi32>
    %broadcast_in_dim3A_4 = arith.constant 0x7F800000 : f32
    %broadcast_in_dim3A_5 = vector.broadcast %broadcast_in_dim3A_4 : f32 to vector<16xf32>
    %scan3A = arith.constant 0 : i32
    %scan3A_6 = arith.constant 0 : i32
    %scan3A_7 = arith.constant 32 : i32
    %scan3A_8 = arith.addi %scan3A_6, %scan3A_7 : i32
    %scan3A_9 = arith.constant 1 : i32
    %scan3A_10 = scf.for %scan3A_12 = %scan3A_6 to %scan3A_8 step %scan3A_9 iter_args(%scan3A_13 = %scan3A) -> (i32)  : i32 {
      %mul3A_14 = arith.constant 32 : i32
      %mul3A_15 = arith.muli %add3A, %mul3A_14 : i32
      %add3A_16 = arith.addi %mul3A_15, %scan3A_12 : i32
      "tpu.region"() ({
        %run_scoped3A = tpu.sem_alloc : memref<!tpu.dma_semaphore, #tpu.memory_space<semaphore_mem>>
        %dma_start3A = arith.constant 0 : i32
        %dma_start3A_70 = tpu.memref_slice %arg2[%add3A_16, %dma_start3A] : memref<1024x100352xf32, #tpu.memory_space<hbm>> -> memref<1x100352xf32, #tpu.memory_space<hbm>>
        %dma_start3A_71 = tpu.memref_squeeze %dma_start3A_70 : memref<1x100352xf32, #tpu.memory_space<hbm>> -> memref<100352xf32, #tpu.memory_space<hbm>>
        %dma_start3A_72 = arith.constant 0 : i32
        %dma_start3A_73 = tpu.memref_slice %arg2[%add3A_16, %dma_start3A_72] : memref<1024x100352xf32, #tpu.memory_space<hbm>> -> memref<1x100352xf32, #tpu.memory_space<hbm>>
        %dma_start3A_74 = tpu.memref_squeeze %dma_start3A_73 : memref<1x100352xf32, #tpu.memory_space<hbm>> -> memref<100352xf32, #tpu.memory_space<hbm>>
        tpu.enqueue_dma source(%dma_start3A_74 : memref<100352xf32, #tpu.memory_space<hbm>>) target(%arg6 : memref<100352xf32, #tpu.memory_space<vmem>>) target_semaphore(%run_scoped3A : memref<!tpu.dma_semaphore, #tpu.memory_space<semaphore_mem>>)
        %dma_wait3A = arith.constant 0 : i32
        %dma_wait3A_75 = tpu.memref_slice %arg2[%add3A_16, %dma_wait3A] : memref<1024x100352xf32, #tpu.memory_space<hbm>> -> memref<1x100352xf32, #tpu.memory_space<hbm>>
        %dma_wait3A_76 = tpu.memref_squeeze %dma_wait3A_75 : memref<1x100352xf32, #tpu.memory_space<hbm>> -> memref<100352xf32, #tpu.memory_space<hbm>>
        %dma_wait3A_77 = arith.constant 0 : i32
        %dma_wait3A_78 = tpu.memref_slice %arg2[%add3A_16, %dma_wait3A_77] : memref<1024x100352xf32, #tpu.memory_space<hbm>> -> memref<1x100352xf32, #tpu.memory_space<hbm>>
        %dma_wait3A_79 = tpu.memref_squeeze %dma_wait3A_78 : memref<1x100352xf32, #tpu.memory_space<hbm>> -> memref<100352xf32, #tpu.memory_space<hbm>>
        tpu.wait_dma2 semaphore(%run_scoped3A : memref<!tpu.dma_semaphore, #tpu.memory_space<semaphore_mem>>) src(%dma_wait3A_79 : memref<100352xf32, #tpu.memory_space<hbm>>) dst(%arg6 : memref<100352xf32, #tpu.memory_space<vmem>>)
        tpu.yield
      }) : () -> ()
      %scan3A_17 = arith.constant 0 : i32
      %scan3A_18 = arith.constant 0 : i32
      %scan3A_19 = arith.constant 1024 : i32
      %scan3A_20 = arith.addi %scan3A_18, %scan3A_19 : i32
      %scan3A_21 = arith.constant 1 : i32
      %scan3A_22 = scf.for %scan3A_70 = %scan3A_18 to %scan3A_20 step %scan3A_21 iter_args(%scan3A_71 = %scan3A_17) -> (i32)  : i32 {
        %mul3A_72 = arith.constant 16 : i32
        %mul3A_73 = arith.muli %scan3A_70, %mul3A_72 : i32
        %swap3A_74 = arith.index_cast %mul3A_73 : i32 to index
        %swap3A_75 = tpu.vector_load %arg7[%swap3A_74] {strides = array<i32>} : memref<16384xi32, #tpu.memory_space<vmem>>, vector<16xi32>,
        tpu.vector_store %arg7[%swap3A_74], %broadcast_in_dim3A_3 {strides = array<i32>} : memref<16384xi32, #tpu.memory_space<vmem>>, vector<16xi32>,
        %scan3A_76 = arith.constant 0 : i32
        scf.yield %scan3A_76 : i32
      }
      %scan3A_23 = arith.constant 1024 : i32
      %scan3A_24 = arith.constant 0 : i32
      %scan3A_25 = arith.constant 0 : i32
      %scan3A_26 = arith.constant 1568 : i32
      %scan3A_27 = arith.addi %scan3A_25, %scan3A_26 : i32
      %scan3A_28 = arith.constant 1 : i32
      %scan3A_29 = scf.for %scan3A_70 = %scan3A_25 to %scan3A_27 step %scan3A_28 iter_args(%scan3A_71 = %scan3A_24) -> (i32)  : i32 {
        %mul3A_72 = arith.constant 64 : i32
        %mul3A_73 = arith.muli %scan3A_70, %mul3A_72 : i32
        %get3A = arith.index_cast %mul3A_73 : i32 to index
        %get3A_74 = tpu.vector_load %arg6[%get3A] {strides = array<i32>} : memref<100352xf32, #tpu.memory_space<vmem>>, vector<16xf32>,
        %max3A = arith.constant -3.000000e-05 : f32
        %max3A_75 = vector.broadcast %max3A : f32 to vector<16xf32>
        %max3A_76 = arith.maximumf %get3A_74, %max3A_75 : vector<16xf32>
        %min3A = arith.constant 0.0309848487 : f32
        %min3A_77 = vector.broadcast %min3A : f32 to vector<16xf32>
        %min3A_78 = arith.minimumf %max3A_76, %min3A_77 : vector<16xf32>
        %sub3A_79 = arith.constant -3.000000e-05 : f32
        %sub3A_80 = vector.broadcast %sub3A_79 : f32 to vector<16xf32>
        %sub3A_81 = arith.subf %min3A_78, %sub3A_80 : vector<16xf32>
        %mul3A_82 = arith.constant 33000.3242 : f32
        %mul3A_83 = vector.broadcast %mul3A_82 : f32 to vector<16xf32>
        %mul3A_84 = arith.mulf %sub3A_81, %mul3A_83 : vector<16xf32>
        %convert_element_type3A_85 = arith.fptosi %mul3A_84 : vector<16xf32> to vector<16xi32>
        %mul3A_86 = arith.constant 1024 : i32
        %mul3A_87 = vector.broadcast %mul3A_86 : i32 to vector<16xi32>
        %mul3A_88 = arith.muli %iota3A, %mul3A_87 : vector<16xi32>
        %add3A_89 = arith.addi %mul3A_88, %convert_element_type3A_85 : vector<16xi32>
        tpu.vector_store_idx %arg7[%add3A_89], %broadcast_in_dim3A_1 {add = true} : memref<16384xi32, #tpu.memory_space<vmem>>[vector<16xi32>], vector<16xi32>,
        %scan3A_90 = arith.constant 0 : i32
        scf.yield %scan3A_90 : i32
      }
      %scan3A_30 = arith.constant 1568 : i32
      %broadcast_in_dim3A_31 = arith.constant 0 : i32
      %broadcast_in_dim3A_32 = vector.broadcast %broadcast_in_dim3A_31 : i32 to vector<16xi32>
      %broadcast_in_dim3A_33 = arith.constant 0 : i32
      %broadcast_in_dim3A_34 = vector.broadcast %broadcast_in_dim3A_33 : i32 to vector<16xi32>
      %scan3A_35 = arith.constant 0 : i32
      %scan3A_36 = arith.constant 64 : i32
      %scan3A_37 = arith.addi %scan3A_35, %scan3A_36 : i32
      %scan3A_38 = arith.constant 1 : i32
      %scan3A_39:2 = scf.for %scan3A_70 = %scan3A_35 to %scan3A_37 step %scan3A_38 iter_args(%scan3A_71 = %broadcast_in_dim3A_32, %scan3A_72 = %broadcast_in_dim3A_34) -> (vector<16xi32>, vector<16xi32>)  : i32 {
        %mul3A_73 = arith.constant 16 : i32
        %mul3A_74 = arith.muli %scan3A_70, %mul3A_73 : i32
        %get3A = arith.index_cast %mul3A_74 : i32 to index
        %get3A_75 = tpu.vector_load %arg7[%get3A] {strides = array<i32>} : memref<16384xi32, #tpu.memory_space<vmem>>, vector<16xi32>,
        %mul3A_76 = arith.constant 16 : i32
        %mul3A_77 = arith.muli %scan3A_70, %mul3A_76 : i32
        %add3A_78 = arith.constant 1024 : i32
        %add3A_79 = arith.addi %add3A_78, %mul3A_77 : i32
        %get3A_80 = arith.index_cast %add3A_79 : i32 to index
        %get3A_81 = tpu.vector_load %arg7[%get3A_80] {strides = array<i32>} : memref<16384xi32, #tpu.memory_space<vmem>>, vector<16xi32>,
        %add3A_82 = arith.addi %get3A_75, %get3A_81 : vector<16xi32>
        %mul3A_83 = arith.constant 16 : i32
        %mul3A_84 = arith.muli %scan3A_70, %mul3A_83 : i32
        %add3A_85 = arith.constant 2048 : i32
        %add3A_86 = arith.addi %add3A_85, %mul3A_84 : i32
        %get3A_87 = arith.index_cast %add3A_86 : i32 to index
        %get3A_88 = tpu.vector_load %arg7[%get3A_87] {strides = array<i32>} : memref<16384xi32, #tpu.memory_space<vmem>>, vector<16xi32>,
        %add3A_89 = arith.addi %add3A_82, %get3A_88 : vector<16xi32>
        %mul3A_90 = arith.constant 16 : i32
        %mul3A_91 = arith.muli %scan3A_70, %mul3A_90 : i32
        %add3A_92 = arith.constant 3072 : i32
        %add3A_93 = arith.addi %add3A_92, %mul3A_91 : i32
        %get3A_94 = arith.index_cast %add3A_93 : i32 to index
        %get3A_95 = tpu.vector_load %arg7[%get3A_94] {strides = array<i32>} : memref<16384xi32, #tpu.memory_space<vmem>>, vector<16xi32>,
        %add3A_96 = arith.addi %add3A_89, %get3A_95 : vector<16xi32>
        %mul3A_97 = arith.constant 16 : i32
        %mul3A_98 = arith.muli %scan3A_70, %mul3A_97 : i32
        %add3A_99 = arith.constant 4096 : i32
        %add3A_100 = arith.addi %add3A_99, %mul3A_98 : i32
        %get3A_101 = arith.index_cast %add3A_100 : i32 to index
        %get3A_102 = tpu.vector_load %arg7[%get3A_101] {strides = array<i32>} : memref<16384xi32, #tpu.memory_space<vmem>>, vector<16xi32>,
        %add3A_103 = arith.addi %add3A_96, %get3A_102 : vector<16xi32>
        %mul3A_104 = arith.constant 16 : i32
        %mul3A_105 = arith.muli %scan3A_70, %mul3A_104 : i32
        %add3A_106 = arith.constant 5120 : i32
        %add3A_107 = arith.addi %add3A_106, %mul3A_105 : i32
        %get3A_108 = arith.index_cast %add3A_107 : i32 to index
        %get3A_109 = tpu.vector_load %arg7[%get3A_108] {strides = array<i32>} : memref<16384xi32, #tpu.memory_space<vmem>>, vector<16xi32>,
        %add3A_110 = arith.addi %add3A_103, %get3A_109 : vector<16xi32>
        %mul3A_111 = arith.constant 16 : i32
        %mul3A_112 = arith.muli %scan3A_70, %mul3A_111 : i32
        %add3A_113 = arith.constant 6144 : i32
        %add3A_114 = arith.addi %add3A_113, %mul3A_112 : i32
        %get3A_115 = arith.index_cast %add3A_114 : i32 to index
        %get3A_116 = tpu.vector_load %arg7[%get3A_115] {strides = array<i32>} : memref<16384xi32, #tpu.memory_space<vmem>>, vector<16xi32>,
        %add3A_117 = arith.addi %add3A_110, %get3A_116 : vector<16xi32>
        %mul3A_118 = arith.constant 16 : i32
        %mul3A_119 = arith.muli %scan3A_70, %mul3A_118 : i32
        %add3A_120 = arith.constant 7168 : i32
        %add3A_121 = arith.addi %add3A_120, %mul3A_119 : i32
        %get3A_122 = arith.index_cast %add3A_121 : i32 to index
        %get3A_123 = tpu.vector_load %arg7[%get3A_122] {strides = array<i32>} : memref<16384xi32, #tpu.memory_space<vmem>>, vector<16xi32>,
        %add3A_124 = arith.addi %add3A_117, %get3A_123 : vector<16xi32>
        %mul3A_125 = arith.constant 16 : i32
        %mul3A_126 = arith.muli %scan3A_70, %mul3A_125 : i32
        %add3A_127 = arith.constant 8192 : i32
        %add3A_128 = arith.addi %add3A_127, %mul3A_126 : i32
        %get3A_129 = arith.index_cast %add3A_128 : i32 to index
        %get3A_130 = tpu.vector_load %arg7[%get3A_129] {strides = array<i32>} : memref<16384xi32, #tpu.memory_space<vmem>>, vector<16xi32>,
        %add3A_131 = arith.addi %add3A_124, %get3A_130 : vector<16xi32>
        %mul3A_132 = arith.constant 16 : i32
        %mul3A_133 = arith.muli %scan3A_70, %mul3A_132 : i32
        %add3A_134 = arith.constant 9216 : i32
        %add3A_135 = arith.addi %add3A_134, %mul3A_133 : i32
        %get3A_136 = arith.index_cast %add3A_135 : i32 to index
        %get3A_137 = tpu.vector_load %arg7[%get3A_136] {strides = array<i32>} : memref<16384xi32, #tpu.memory_space<vmem>>, vector<16xi32>,
        %add3A_138 = arith.addi %add3A_131, %get3A_137 : vector<16xi32>
        %mul3A_139 = arith.constant 16 : i32
        %mul3A_140 = arith.muli %scan3A_70, %mul3A_139 : i32
        %add3A_141 = arith.constant 10240 : i32
        %add3A_142 = arith.addi %add3A_141, %mul3A_140 : i32
        %get3A_143 = arith.index_cast %add3A_142 : i32 to index
        %get3A_144 = tpu.vector_load %arg7[%get3A_143] {strides = array<i32>} : memref<16384xi32, #tpu.memory_space<vmem>>, vector<16xi32>,
        %add3A_145 = arith.addi %add3A_138, %get3A_144 : vector<16xi32>
        %mul3A_146 = arith.constant 16 : i32
        %mul3A_147 = arith.muli %scan3A_70, %mul3A_146 : i32
        %add3A_148 = arith.constant 11264 : i32
        %add3A_149 = arith.addi %add3A_148, %mul3A_147 : i32
        %get3A_150 = arith.index_cast %add3A_149 : i32 to index
        %get3A_151 = tpu.vector_load %arg7[%get3A_150] {strides = array<i32>} : memref<16384xi32, #tpu.memory_space<vmem>>, vector<16xi32>,
        %add3A_152 = arith.addi %add3A_145, %get3A_151 : vector<16xi32>
        %mul3A_153 = arith.constant 16 : i32
        %mul3A_154 = arith.muli %scan3A_70, %mul3A_153 : i32
        %add3A_155 = arith.constant 12288 : i32
        %add3A_156 = arith.addi %add3A_155, %mul3A_154 : i32
        %get3A_157 = arith.index_cast %add3A_156 : i32 to index
        %get3A_158 = tpu.vector_load %arg7[%get3A_157] {strides = array<i32>} : memref<16384xi32, #tpu.memory_space<vmem>>, vector<16xi32>,
        %add3A_159 = arith.addi %add3A_152, %get3A_158 : vector<16xi32>
        %mul3A_160 = arith.constant 16 : i32
        %mul3A_161 = arith.muli %scan3A_70, %mul3A_160 : i32
        %add3A_162 = arith.constant 13312 : i32
        %add3A_163 = arith.addi %add3A_162, %mul3A_161 : i32
        %get3A_164 = arith.index_cast %add3A_163 : i32 to index
        %get3A_165 = tpu.vector_load %arg7[%get3A_164] {strides = array<i32>} : memref<16384xi32, #tpu.memory_space<vmem>>, vector<16xi32>,
        %add3A_166 = arith.addi %add3A_159, %get3A_165 : vector<16xi32>
        %mul3A_167 = arith.constant 16 : i32
        %mul3A_168 = arith.muli %scan3A_70, %mul3A_167 : i32
        %add3A_169 = arith.constant 14336 : i32
        %add3A_170 = arith.addi %add3A_169, %mul3A_168 : i32
        %get3A_171 = arith.index_cast %add3A_170 : i32 to index
        %get3A_172 = tpu.vector_load %arg7[%get3A_171] {strides = array<i32>} : memref<16384xi32, #tpu.memory_space<vmem>>, vector<16xi32>,
        %add3A_173 = arith.addi %add3A_166, %get3A_172 : vector<16xi32>
        %mul3A_174 = arith.constant 16 : i32
        %mul3A_175 = arith.muli %scan3A_70, %mul3A_174 : i32
        %add3A_176 = arith.constant 15360 : i32
        %add3A_177 = arith.addi %add3A_176, %mul3A_175 : i32
        %get3A_178 = arith.index_cast %add3A_177 : i32 to index
        %get3A_179 = tpu.vector_load %arg7[%get3A_178] {strides = array<i32>} : memref<16384xi32, #tpu.memory_space<vmem>>, vector<16xi32>,
        %add3A_180 = arith.addi %add3A_173, %get3A_179 : vector<16xi32>
        %broadcast_in_dim3A_181 = arith.constant true
        %broadcast_in_dim3A_182 = vector.broadcast %broadcast_in_dim3A_181 : i1 to vector<16xi1>
        %masked_cumsum3A = tpu.scan <sum>, %add3A_180 masked %broadcast_in_dim3A_182 : vector<16xi32>, vector<16xi1> -> vector<16xi32>
        %add3A_183 = arith.addi %scan3A_71, %masked_cumsum3A : vector<16xi32>
        %ge3A = arith.constant 220 : i32
        %ge3A_184 = vector.broadcast %ge3A : i32 to vector<16xi32>
        %ge3A_185 = arith.cmpi sge, %add3A_183, %ge3A_184 : vector<16xi32>
        %all_reduce_population_count3A = tpu.all_reduce %ge3A_185 {dim = 0 : i64, kind = #tpu.reduction_kind<sum>} : vector<16xi1> -> vector<16xi32>
        %reduce_sum3A = arith.constant true
        %reduce_sum3A_186 = vector.broadcast %reduce_sum3A : i1 to vector<16xi1>
        %reduce_sum3A_187 = tpu.scan <sum>, %add3A_180 masked %reduce_sum3A_186 : vector<16xi32>, vector<16xi1> -> vector<16xi32>
        %reduce_sum3A_188 = vector.extract %reduce_sum3A_187[15] : i32 from vector<16xi32>
        %broadcast_in_dim3A_189 = vector.broadcast %reduce_sum3A_188 : i32 to vector<16xi32>
        %add3A_190 = arith.addi %scan3A_71, %broadcast_in_dim3A_189 : vector<16xi32>
        %add3A_191 = arith.addi %scan3A_72, %all_reduce_population_count3A : vector<16xi32>
        scf.yield %add3A_190, %add3A_191 : vector<16xi32>, vector<16xi32>
      }
      %scan3A_40 = arith.constant 64 : i32
      %reduce_max3A = arith.constant true
      %reduce_max3A_41 = vector.broadcast %reduce_max3A : i1 to vector<16xi1>
      %reduce_max3A_42 = arith.constant -2147483648 : i32
      %reduce_max3A_43 = vector.broadcast %reduce_max3A_42 : i32 to vector<16xi32>
      %reduce_max3A_44 = arith.xori %scan3A_39#1, %reduce_max3A_43 : vector<16xi32>
      %reduce_max3A_45 = tpu.scan <max>, %reduce_max3A_44 masked %reduce_max3A_41 : vector<16xi32>, vector<16xi1> -> vector<16xi32>
      %reduce_max3A_46 = arith.xori %reduce_max3A_45, %reduce_max3A_43 : vector<16xi32>
      %reduce_max3A_47 = vector.extract %reduce_max3A_46[15] : i32 from vector<16xi32>
      %sub3A = arith.constant 1024 : i32
      %sub3A_48 = arith.subi %sub3A, %reduce_max3A_47 : i32
      %convert_element_type3A = arith.sitofp %sub3A_48 : i32 to f32
      %add3A_49 = arith.constant 2.000000e+00 : f32
      %add3A_50 = arith.addf %convert_element_type3A, %add3A_49 : f32
      %mul3A_51 = arith.constant 3.03027336E-5 : f32
      %mul3A_52 = arith.mulf %add3A_50, %mul3A_51 : f32
      %add3A_53 = arith.constant -3.000000e-05 : f32
      %add3A_54 = arith.addf %add3A_53, %mul3A_52 : f32
      %scan3A_55 = arith.constant 0 : i32
      %scan3A_56 = arith.constant 0 : i32
      %scan3A_57 = arith.constant 128 : i32
      %scan3A_58 = arith.addi %scan3A_56, %scan3A_57 : i32
      %scan3A_59 = arith.constant 1 : i32
      %scan3A_60 = scf.for %scan3A_70 = %scan3A_56 to %scan3A_58 step %scan3A_59 iter_args(%scan3A_71 = %scan3A_55) -> (i32)  : i32 {
        %mul3A_72 = arith.constant 16 : i32
        %mul3A_73 = arith.muli %scan3A_70, %mul3A_72 : i32
        %swap3A_74 = arith.index_cast %mul3A_73 : i32 to index
        %swap3A_75 = tpu.vector_load %arg8[%swap3A_74] {strides = array<i32>} : memref<2048xf32, #tpu.memory_space<vmem>>, vector<16xf32>,
        tpu.vector_store %arg8[%swap3A_74], %broadcast_in_dim3A_5 {strides = array<i32>} : memref<2048xf32, #tpu.memory_space<vmem>>, vector<16xf32>,
        %scan3A_76 = arith.constant 0 : i32
        scf.yield %scan3A_76 : i32
      }
      %scan3A_61 = arith.constant 128 : i32
      %scan3A_62 = arith.constant 0 : i32
      %scan3A_63 = arith.constant 6272 : i32
      %scan3A_64 = arith.addi %scan3A_62, %scan3A_63 : i32
      %scan3A_65 = arith.constant 1 : i32
      %scan3A_66 = scf.for %scan3A_70 = %scan3A_62 to %scan3A_64 step %scan3A_65 iter_args(%scan3A_71 = %broadcast_in_dim3A_3) -> (vector<16xi32>)  : i32 {
        %mul3A_72 = arith.constant 16 : i32
        %mul3A_73 = arith.muli %scan3A_70, %mul3A_72 : i32
        %get3A = arith.index_cast %mul3A_73 : i32 to index
        %get3A_74 = tpu.vector_load %arg6[%get3A] {strides = array<i32>} : memref<100352xf32, #tpu.memory_space<vmem>>, vector<16xf32>,
        %le3A = vector.broadcast %add3A_54 : f32 to vector<16xf32>
        %le3A_75 = arith.cmpf ole, %get3A_74, %le3A : vector<16xf32>
        %jit3A = arith.constant 1 : i32
        %jit3A_76 = arith.constant 0 : i32
        %broadcast_in_dim3A_77 = vector.broadcast %jit3A : i32 to vector<16xi32>
        %broadcast_in_dim3A_78 = vector.broadcast %jit3A_76 : i32 to vector<16xi32>
        %select_n3A = arith.select %le3A_75, %broadcast_in_dim3A_77, %broadcast_in_dim3A_78 : vector<16xi1>, vector<16xi32>
        %broadcast_in_dim3A_79 = arith.constant true
        %broadcast_in_dim3A_80 = vector.broadcast %broadcast_in_dim3A_79 : i1 to vector<16xi1>
        %masked_cumsum3A = tpu.scan <sum>, %select_n3A masked %broadcast_in_dim3A_80 : vector<16xi32>, vector<16xi1> -> vector<16xi32>
        %add3A_81 = arith.addi %scan3A_71, %masked_cumsum3A : vector<16xi32>
        %sub3A_82 = arith.constant 1 : i32
        %sub3A_83 = vector.broadcast %sub3A_82 : i32 to vector<16xi32>
        %sub3A_84 = arith.subi %add3A_81, %sub3A_83 : vector<16xi32>
        %lt3A = arith.constant 2048 : i32
        %lt3A_85 = vector.broadcast %lt3A : i32 to vector<16xi32>
        %lt3A_86 = arith.cmpi slt, %sub3A_84, %lt3A_85 : vector<16xi32>
        %and3A = arith.andi %le3A_75, %lt3A_86 : vector<16xi1>
        tpu.vector_store_idx %arg8[%sub3A_84], %get3A_74 masked %and3A : memref<2048xf32, #tpu.memory_space<vmem>>[vector<16xi32>], vector<16xf32>, vector<16xi1>
        %mul3A_87 = arith.constant 16 : i32
        %mul3A_88 = arith.muli %scan3A_70, %mul3A_87 : i32
        %add3A_89 = vector.broadcast %mul3A_88 : i32 to vector<16xi32>
        %add3A_90 = arith.addi %iota3A, %add3A_89 : vector<16xi32>
        tpu.vector_store_idx %arg9[%sub3A_84], %add3A_90 masked %and3A : memref<2048xi32, #tpu.memory_space<vmem>>[vector<16xi32>], vector<16xi32>, vector<16xi1>
        %all_reduce_population_count3A = tpu.all_reduce %le3A_75 {dim = 0 : i64, kind = #tpu.reduction_kind<sum>} : vector<16xi1> -> vector<16xi32>
        %add3A_91 = arith.addi %scan3A_71, %all_reduce_population_count3A : vector<16xi32>
        scf.yield %add3A_91 : vector<16xi32>
      }
      %scan3A_67 = arith.constant 6272 : i32
      %swap3A = arith.constant 0 : index
      %swap3A_68 = tpu.vector_load %arg10[%swap3A] {strides = array<i32>} : memref<16xi32, #tpu.memory_space<vmem>>, vector<16xi32>,
      tpu.vector_store %arg10[%swap3A], %scan3A_66 {strides = array<i32>} : memref<16xi32, #tpu.memory_space<vmem>>, vector<16xi32>,
      "tpu.region"() ({
        %run_scoped3A = tpu.sem_alloc : memref<!tpu.dma_semaphore, #tpu.memory_space<semaphore_mem>>
        %dma_start3A = arith.constant 0 : i32
        %dma_start3A_70 = tpu.memref_slice %arg3[%add3A_16, %dma_start3A] : memref<1024x2048xf32, #tpu.memory_space<hbm>> -> memref<1x2048xf32, #tpu.memory_space<hbm>>
        %dma_start3A_71 = tpu.memref_squeeze %dma_start3A_70 : memref<1x2048xf32, #tpu.memory_space<hbm>> -> memref<2048xf32, #tpu.memory_space<hbm>>
        %dma_start3A_72 = arith.constant 0 : i32
        %dma_start3A_73 = tpu.memref_slice %arg3[%add3A_16, %dma_start3A_72] : memref<1024x2048xf32, #tpu.memory_space<hbm>> -> memref<1x2048xf32, #tpu.memory_space<hbm>>
        %dma_start3A_74 = tpu.memref_squeeze %dma_start3A_73 : memref<1x2048xf32, #tpu.memory_space<hbm>> -> memref<2048xf32, #tpu.memory_space<hbm>>
        tpu.enqueue_dma source(%arg8 : memref<2048xf32, #tpu.memory_space<vmem>>) target(%dma_start3A_74 : memref<2048xf32, #tpu.memory_space<hbm>>) target_semaphore(%run_scoped3A : memref<!tpu.dma_semaphore, #tpu.memory_space<semaphore_mem>>)
        %dma_wait3A = arith.constant 0 : i32
        %dma_wait3A_75 = tpu.memref_slice %arg3[%add3A_16, %dma_wait3A] : memref<1024x2048xf32, #tpu.memory_space<hbm>> -> memref<1x2048xf32, #tpu.memory_space<hbm>>
        %dma_wait3A_76 = tpu.memref_squeeze %dma_wait3A_75 : memref<1x2048xf32, #tpu.memory_space<hbm>> -> memref<2048xf32, #tpu.memory_space<hbm>>
        %dma_wait3A_77 = arith.constant 0 : i32
        %dma_wait3A_78 = tpu.memref_slice %arg3[%add3A_16, %dma_wait3A_77] : memref<1024x2048xf32, #tpu.memory_space<hbm>> -> memref<1x2048xf32, #tpu.memory_space<hbm>>
        %dma_wait3A_79 = tpu.memref_squeeze %dma_wait3A_78 : memref<1x2048xf32, #tpu.memory_space<hbm>> -> memref<2048xf32, #tpu.memory_space<hbm>>
        tpu.wait_dma2 semaphore(%run_scoped3A : memref<!tpu.dma_semaphore, #tpu.memory_space<semaphore_mem>>) src(%arg8 : memref<2048xf32, #tpu.memory_space<vmem>>) dst(%dma_wait3A_79 : memref<2048xf32, #tpu.memory_space<hbm>>)
        tpu.yield
      }) : () -> ()
      "tpu.region"() ({
        %run_scoped3A = tpu.sem_alloc : memref<!tpu.dma_semaphore, #tpu.memory_space<semaphore_mem>>
        %dma_start3A = arith.constant 0 : i32
        %dma_start3A_70 = tpu.memref_slice %arg4[%add3A_16, %dma_start3A] : memref<1024x2048xi32, #tpu.memory_space<hbm>> -> memref<1x2048xi32, #tpu.memory_space<hbm>>
        %dma_start3A_71 = tpu.memref_squeeze %dma_start3A_70 : memref<1x2048xi32, #tpu.memory_space<hbm>> -> memref<2048xi32, #tpu.memory_space<hbm>>
        %dma_start3A_72 = arith.constant 0 : i32
        %dma_start3A_73 = tpu.memref_slice %arg4[%add3A_16, %dma_start3A_72] : memref<1024x2048xi32, #tpu.memory_space<hbm>> -> memref<1x2048xi32, #tpu.memory_space<hbm>>
        %dma_start3A_74 = tpu.memref_squeeze %dma_start3A_73 : memref<1x2048xi32, #tpu.memory_space<hbm>> -> memref<2048xi32, #tpu.memory_space<hbm>>
        tpu.enqueue_dma source(%arg9 : memref<2048xi32, #tpu.memory_space<vmem>>) target(%dma_start3A_74 : memref<2048xi32, #tpu.memory_space<hbm>>) target_semaphore(%run_scoped3A : memref<!tpu.dma_semaphore, #tpu.memory_space<semaphore_mem>>)
        %dma_wait3A = arith.constant 0 : i32
        %dma_wait3A_75 = tpu.memref_slice %arg4[%add3A_16, %dma_wait3A] : memref<1024x2048xi32, #tpu.memory_space<hbm>> -> memref<1x2048xi32, #tpu.memory_space<hbm>>
        %dma_wait3A_76 = tpu.memref_squeeze %dma_wait3A_75 : memref<1x2048xi32, #tpu.memory_space<hbm>> -> memref<2048xi32, #tpu.memory_space<hbm>>
        %dma_wait3A_77 = arith.constant 0 : i32
        %dma_wait3A_78 = tpu.memref_slice %arg4[%add3A_16, %dma_wait3A_77] : memref<1024x2048xi32, #tpu.memory_space<hbm>> -> memref<1x2048xi32, #tpu.memory_space<hbm>>
        %dma_wait3A_79 = tpu.memref_squeeze %dma_wait3A_78 : memref<1x2048xi32, #tpu.memory_space<hbm>> -> memref<2048xi32, #tpu.memory_space<hbm>>
        tpu.wait_dma2 semaphore(%run_scoped3A : memref<!tpu.dma_semaphore, #tpu.memory_space<semaphore_mem>>) src(%arg9 : memref<2048xi32, #tpu.memory_space<vmem>>) dst(%dma_wait3A_79 : memref<2048xi32, #tpu.memory_space<hbm>>)
        tpu.yield
      }) : () -> ()
      "tpu.region"() ({
        %run_scoped3A = tpu.sem_alloc : memref<!tpu.dma_semaphore, #tpu.memory_space<semaphore_mem>>
        %dma_start3A = arith.constant 0 : i32
        %dma_start3A_70 = tpu.memref_slice %arg5[%add3A_16, %dma_start3A] : memref<1024x16xi32, #tpu.memory_space<hbm>> -> memref<1x16xi32, #tpu.memory_space<hbm>>
        %dma_start3A_71 = tpu.memref_squeeze %dma_start3A_70 : memref<1x16xi32, #tpu.memory_space<hbm>> -> memref<16xi32, #tpu.memory_space<hbm>>
        %dma_start3A_72 = arith.constant 0 : i32
        %dma_start3A_73 = tpu.memref_slice %arg5[%add3A_16, %dma_start3A_72] : memref<1024x16xi32, #tpu.memory_space<hbm>> -> memref<1x16xi32, #tpu.memory_space<hbm>>
        %dma_start3A_74 = tpu.memref_squeeze %dma_start3A_73 : memref<1x16xi32, #tpu.memory_space<hbm>> -> memref<16xi32, #tpu.memory_space<hbm>>
        tpu.enqueue_dma source(%arg10 : memref<16xi32, #tpu.memory_space<vmem>>) target(%dma_start3A_74 : memref<16xi32, #tpu.memory_space<hbm>>) target_semaphore(%run_scoped3A : memref<!tpu.dma_semaphore, #tpu.memory_space<semaphore_mem>>)
        %dma_wait3A = arith.constant 0 : i32
        %dma_wait3A_75 = tpu.memref_slice %arg5[%add3A_16, %dma_wait3A] : memref<1024x16xi32, #tpu.memory_space<hbm>> -> memref<1x16xi32, #tpu.memory_space<hbm>>
        %dma_wait3A_76 = tpu.memref_squeeze %dma_wait3A_75 : memref<1x16xi32, #tpu.memory_space<hbm>> -> memref<16xi32, #tpu.memory_space<hbm>>
        %dma_wait3A_77 = arith.constant 0 : i32
        %dma_wait3A_78 = tpu.memref_slice %arg5[%add3A_16, %dma_wait3A_77] : memref<1024x16xi32, #tpu.memory_space<hbm>> -> memref<1x16xi32, #tpu.memory_space<hbm>>
        %dma_wait3A_79 = tpu.memref_squeeze %dma_wait3A_78 : memref<1x16xi32, #tpu.memory_space<hbm>> -> memref<16xi32, #tpu.memory_space<hbm>>
        tpu.wait_dma2 semaphore(%run_scoped3A : memref<!tpu.dma_semaphore, #tpu.memory_space<semaphore_mem>>) src(%arg10 : memref<16xi32, #tpu.memory_space<vmem>>) dst(%dma_wait3A_79 : memref<16xi32, #tpu.memory_space<hbm>>)
        tpu.yield
      }) : () -> ()
      %scan3A_69 = arith.constant 0 : i32
      scf.yield %scan3A_69 : i32
    }
    %scan3A_11 = arith.constant 32 : i32
    return
  }
}

#map = affine_map<(d0, d1) -> (0, 0)>
#map1 = affine_map<(d0, d1) -> (0)>
module attributes {stable_mosaic.version = 14 : i64} {
  func.func @g(%arg0: i32, %arg1: i32, %arg2: memref<100352x128xf32, #tpu.memory_space<hbm>>, %arg3: memref<524288xi32, #tpu.memory_space<hbm>>, %arg4: memref<524288x128xf32, #tpu.memory_space<hbm>>, %arg5: memref<128xi32, #tpu.memory_space<vmem>>, %arg6: memref<128x128xf32, #tpu.memory_space<vmem>>, %arg7: memref<!tpu.dma_semaphore, #tpu.memory_space<semaphore_mem>>) attributes {dimension_semantics = [#tpu.dimension_semantics<core_parallel>, #tpu.dimension_semantics<subcore_parallel>], iteration_bounds = array<i64: 2, 16>, scalar_prefetch = 0 : i64, scratch_operands = 3 : i64, tpu.core_type = #tpu.core_type<sc_vector_subcore>, window_params = [{transform_indices = #map}, {transform_indices = #map1}, {transform_indices = #map}]} {
    %mul3A = arith.constant 2 : i32
    %mul3A_0 = arith.muli %arg1, %mul3A : i32
    %add3A = arith.addi %mul3A_0, %arg0 : i32
    %scan3A = arith.constant 0 : i32
    %scan3A_1 = arith.constant 0 : i32
    %scan3A_2 = arith.constant 128 : i32
    %scan3A_3 = arith.addi %scan3A_1, %scan3A_2 : i32
    %scan3A_4 = arith.constant 1 : i32
    %scan3A_5 = scf.for %scan3A_7 = %scan3A_1 to %scan3A_3 step %scan3A_4 iter_args(%scan3A_8 = %scan3A) -> (i32)  : i32 {
      %mul3A_9 = arith.constant 16384 : i32
      %mul3A_10 = arith.muli %add3A, %mul3A_9 : i32
      %mul3A_11 = arith.constant 128 : i32
      %mul3A_12 = arith.muli %scan3A_7, %mul3A_11 : i32
      %add3A_13 = arith.addi %mul3A_10, %mul3A_12 : i32
      "tpu.region"() ({
        %run_scoped3A = tpu.sem_alloc : memref<!tpu.dma_semaphore, #tpu.memory_space<semaphore_mem>>
        %dma_start3A_19 = tpu.memref_slice %arg3[%add3A_13] : memref<524288xi32, #tpu.memory_space<hbm>> -> memref<128xi32, #tpu.memory_space<hbm>>
        %dma_start3A_20 = tpu.memref_slice %arg3[%add3A_13] : memref<524288xi32, #tpu.memory_space<hbm>> -> memref<128xi32, #tpu.memory_space<hbm>>
        tpu.enqueue_dma source(%dma_start3A_20 : memref<128xi32, #tpu.memory_space<hbm>>) target(%arg5 : memref<128xi32, #tpu.memory_space<vmem>>) target_semaphore(%run_scoped3A : memref<!tpu.dma_semaphore, #tpu.memory_space<semaphore_mem>>)
        %dma_wait3A_21 = tpu.memref_slice %arg3[%add3A_13] : memref<524288xi32, #tpu.memory_space<hbm>> -> memref<128xi32, #tpu.memory_space<hbm>>
        %dma_wait3A_22 = tpu.memref_slice %arg3[%add3A_13] : memref<524288xi32, #tpu.memory_space<hbm>> -> memref<128xi32, #tpu.memory_space<hbm>>
        tpu.wait_dma2 semaphore(%run_scoped3A : memref<!tpu.dma_semaphore, #tpu.memory_space<semaphore_mem>>) src(%dma_wait3A_22 : memref<128xi32, #tpu.memory_space<hbm>>) dst(%arg5 : memref<128xi32, #tpu.memory_space<vmem>>)
        tpu.yield
      }) : () -> ()
      %dma_start3A = arith.constant 0 : i32
      %dma_start3A_14 = arith.constant 0 : i32
      %dma_start3A_15 = tpu.memref_slice %arg2[%dma_start3A, %dma_start3A_14] : memref<100352x128xf32, #tpu.memory_space<hbm>> -> memref<100352x128xf32, #tpu.memory_space<hbm>>
      tpu.enqueue_indirect_dma source(%dma_start3A_15 : memref<100352x128xf32, #tpu.memory_space<hbm>>) target(%arg6 : memref<128x128xf32, #tpu.memory_space<vmem>>) offsets(%arg5 : memref<128xi32, #tpu.memory_space<vmem>>) semaphore(%arg7 : memref<!tpu.dma_semaphore, #tpu.memory_space<semaphore_mem>>)
      %dma_wait3A = arith.constant 0 : i32
      %dma_wait3A_16 = arith.constant 0 : i32
      %dma_wait3A_17 = tpu.memref_slice %arg2[%dma_wait3A, %dma_wait3A_16] : memref<100352x128xf32, #tpu.memory_space<hbm>> -> memref<100352x128xf32, #tpu.memory_space<hbm>>
      tpu.wait_indirect_dma semaphore(%arg7 : memref<!tpu.dma_semaphore, #tpu.memory_space<semaphore_mem>>) src(%dma_wait3A_17 : memref<100352x128xf32, #tpu.memory_space<hbm>>) dst(%arg6 : memref<128x128xf32, #tpu.memory_space<vmem>>)
      "tpu.region"() ({
        %run_scoped3A = tpu.sem_alloc : memref<!tpu.dma_semaphore, #tpu.memory_space<semaphore_mem>>
        %dma_start3A_19 = arith.constant 0 : i32
        %dma_start3A_20 = tpu.memref_slice %arg4[%add3A_13, %dma_start3A_19] : memref<524288x128xf32, #tpu.memory_space<hbm>> -> memref<128x128xf32, #tpu.memory_space<hbm>>
        %dma_start3A_21 = arith.constant 0 : i32
        %dma_start3A_22 = tpu.memref_slice %arg4[%add3A_13, %dma_start3A_21] : memref<524288x128xf32, #tpu.memory_space<hbm>> -> memref<128x128xf32, #tpu.memory_space<hbm>>
        tpu.enqueue_dma source(%arg6 : memref<128x128xf32, #tpu.memory_space<vmem>>) target(%dma_start3A_22 : memref<128x128xf32, #tpu.memory_space<hbm>>) target_semaphore(%run_scoped3A : memref<!tpu.dma_semaphore, #tpu.memory_space<semaphore_mem>>)
        %dma_wait3A_23 = arith.constant 0 : i32
        %dma_wait3A_24 = tpu.memref_slice %arg4[%add3A_13, %dma_wait3A_23] : memref<524288x128xf32, #tpu.memory_space<hbm>> -> memref<128x128xf32, #tpu.memory_space<hbm>>
        %dma_wait3A_25 = arith.constant 0 : i32
        %dma_wait3A_26 = tpu.memref_slice %arg4[%add3A_13, %dma_wait3A_25] : memref<524288x128xf32, #tpu.memory_space<hbm>> -> memref<128x128xf32, #tpu.memory_space<hbm>>
        tpu.wait_dma2 semaphore(%run_scoped3A : memref<!tpu.dma_semaphore, #tpu.memory_space<semaphore_mem>>) src(%arg6 : memref<128x128xf32, #tpu.memory_space<vmem>>) dst(%dma_wait3A_26 : memref<128x128xf32, #tpu.memory_space<hbm>>)
        tpu.yield
      }) : () -> ()
      %scan3A_18 = arith.constant 0 : i32
      scf.yield %scan3A_18 : i32
    }
    %scan3A_6 = arith.constant 128 : i32
    return
  }
}

module attributes {stable_mosaic.version = 14 : i64} {
  func.func @_dist_body(%arg0: i32, %arg1: memref<1024x128xf32, #tpu.memory_space<vmem>>, %arg2: memref<1024x1xf32, #tpu.memory_space<vmem>>, %arg3: memref<1024x128xf32, #tpu.memory_space<vmem>>, %arg4: memref<1x1024xf32, #tpu.memory_space<vmem>>, %arg5: memref<1024x1024xf32, #tpu.memory_space<vmem>>) attributes {dimension_semantics = [#tpu.dimension_semantics<arbitrary>], iteration_bounds = array<i64: 98>, scalar_prefetch = 0 : i64, scratch_operands = 0 : i64, tpu.core_type = #tpu.core_type<tc>, window_params = [{pipeline_mode = #tpu.pipeline_mode<synchronous>, transform_indices = @transform_0, window_bounds = array<i64: 1024, 128>}, {pipeline_mode = #tpu.pipeline_mode<synchronous>, transform_indices = @transform_1, window_bounds = array<i64: 1024, 1>}, {transform_indices = @transform_2, window_bounds = array<i64: 1024, 128>}, {transform_indices = @transform_3, window_bounds = array<i64: 1, 1024>}, {transform_indices = @transform_4, window_bounds = array<i64: 1024, 1024>}]} {
    %get3A = arith.constant 0 : index
    %get3A_0 = arith.constant 0 : index
    %get3A_1 = vector.load %arg1[%get3A, %get3A_0] : memref<1024x128xf32, #tpu.memory_space<vmem>>, vector<1024x128xf32>
    %get3A_2 = arith.constant 0 : index
    %get3A_3 = arith.constant 0 : index
    %get3A_4 = vector.load %arg3[%get3A_2, %get3A_3] : memref<1024x128xf32, #tpu.memory_space<vmem>>, vector<1024x128xf32>
    %dot_general3A = arith.constant dense<0.000000e+00> : vector<1024x1024xf32>
    %dot_general3A_5 = tpu.matmul %get3A_1, %get3A_4, %dot_general3A {dimension_numbers = #tpu.dot_dimension_numbers<[1], [1], [0], [0], [0, 0, 1, 0], [], []>, transpose_lhs_hint = false} : vector<1024x128xf32>, vector<1024x128xf32>, vector<1024x1024xf32> -> vector<1024x1024xf32>
    %mul3A = arith.constant 2.000000e+00 : f32
    %mul3A_6 = vector.broadcast %mul3A : f32 to vector<1024x1024xf32>
    %mul3A_7 = arith.mulf %mul3A_6, %dot_general3A_5 : vector<1024x1024xf32>
    %get3A_8 = arith.constant 0 : index
    %get3A_9 = arith.constant 0 : index
    %get3A_10 = vector.load %arg2[%get3A_8, %get3A_9] : memref<1024x1xf32, #tpu.memory_space<vmem>>, vector<1024x1xf32>
    %get3A_11 = arith.constant 0 : index
    %get3A_12 = arith.constant 0 : index
    %get3A_13 = vector.load %arg4[%get3A_11, %get3A_12] : memref<1x1024xf32, #tpu.memory_space<vmem>>, vector<1x1024xf32>
    %sub3A = vector.broadcast %get3A_10 : vector<1024x1xf32> to vector<1024x1024xf32>
    %sub3A_14 = arith.subf %sub3A, %mul3A_7 : vector<1024x1024xf32>
    %add3A = vector.broadcast %get3A_13 : vector<1x1024xf32> to vector<1024x1024xf32>
    %add3A_15 = arith.addf %sub3A_14, %add3A : vector<1024x1024xf32>
    %swap3A = arith.constant 0 : index
    %swap3A_16 = arith.constant 0 : index
    %swap3A_17 = vector.load %arg5[%swap3A, %swap3A_16] : memref<1024x1024xf32, #tpu.memory_space<vmem>>, vector<1024x1024xf32>
    tpu.vector_store %arg5[%swap3A, %swap3A_16], %add3A_15 {strides = array<i32>} : memref<1024x1024xf32, #tpu.memory_space<vmem>>, vector<1024x1024xf32>,
    return
  }
  func.func @transform_0(%arg0: i32) -> (i32, i32) {
    %c0_i32 = arith.constant 0 : i32
    %c0_i32_0 = arith.constant 0 : i32
    %c0_i32_1 = arith.constant 0 : i32
    return %c0_i32, %c0_i32_0 : i32, i32
  }
  func.func @transform_1(%arg0: i32) -> (i32, i32) {
    %c0_i32 = arith.constant 0 : i32
    %c0_i32_0 = arith.constant 0 : i32
    %c0_i32_1 = arith.constant 0 : i32
    return %c0_i32, %c0_i32_0 : i32, i32
  }
  func.func @transform_2(%arg0: i32) -> (i32, i32) {
    %c0_i32 = arith.constant 0 : i32
    %c0_i32_0 = arith.constant 0 : i32
    return %arg0, %c0_i32 : i32, i32
  }
  func.func @transform_3(%arg0: i32) -> (i32, i32) {
    %c0_i32 = arith.constant 0 : i32
    %c0_i32_0 = arith.constant 0 : i32
    return %c0_i32, %arg0 : i32, i32
  }
  func.func @transform_4(%arg0: i32) -> (i32, i32) {
    %c0_i32 = arith.constant 0 : i32
    %c0_i32_0 = arith.constant 0 : i32
    return %c0_i32, %arg0 : i32, i32
  }
}

module attributes {stable_mosaic.version = 14 : i64} {
  func.func @_tail_body(%arg0: i32, %arg1: memref<8x512x128xf32, #tpu.memory_space<vmem>>, %arg2: memref<8x128xf32, #tpu.memory_space<vmem>>, %arg3: memref<8x128xf32, #tpu.memory_space<vmem>>, %arg4: memref<8x128xf32, #tpu.memory_space<vmem>>, %arg5: memref<8x512x128xf32, #tpu.memory_space<vmem>>, %arg6: memref<8x512x128xf32, #tpu.memory_space<vmem>>, %arg7: memref<8x512xf32, #tpu.memory_space<vmem>>) attributes {dimension_semantics = [#tpu.dimension_semantics<arbitrary>], iteration_bounds = array<i64: 128>, scalar_prefetch = 0 : i64, scratch_operands = 0 : i64, tpu.core_type = #tpu.core_type<tc>, window_params = [{transform_indices = @transform_0, window_bounds = array<i64: 8, 512, 128>}, {transform_indices = @transform_1, window_bounds = array<i64: 8, 128>}, {transform_indices = @transform_2, window_bounds = array<i64: 8, 128>}, {transform_indices = @transform_3, window_bounds = array<i64: 8, 128>}, {transform_indices = @transform_4, window_bounds = array<i64: 8, 512, 128>}, {transform_indices = @transform_5, window_bounds = array<i64: 8, 512, 128>}, {transform_indices = @transform_6, window_bounds = array<i64: 8, 512>}]} {
    %get3A = arith.constant 0 : index
    %get3A_0 = arith.constant 0 : index
    %get3A_1 = arith.constant 0 : index
    %get3A_2 = vector.load %arg1[%get3A, %get3A_0, %get3A_1] : memref<8x512x128xf32, #tpu.memory_space<vmem>>, vector<8x512x128xf32>
    %get3A_3 = arith.constant 0 : index
    %get3A_4 = arith.constant 0 : index
    %get3A_5 = vector.load %arg2[%get3A_3, %get3A_4] : memref<8x128xf32, #tpu.memory_space<vmem>>, vector<8x128xf32>
    %broadcast_in_dim3A = vector.shape_cast %get3A_5 : vector<8x128xf32> to vector<8x1x128xf32>
    %get3A_6 = arith.constant 0 : index
    %get3A_7 = arith.constant 0 : index
    %get3A_8 = vector.load %arg3[%get3A_6, %get3A_7] : memref<8x128xf32, #tpu.memory_space<vmem>>, vector<8x128xf32>
    %broadcast_in_dim3A_9 = vector.shape_cast %get3A_8 : vector<8x128xf32> to vector<8x1x128xf32>
    %get3A_10 = arith.constant 0 : index
    %get3A_11 = arith.constant 0 : index
    %get3A_12 = vector.load %arg4[%get3A_10, %get3A_11] : memref<8x128xf32, #tpu.memory_space<vmem>>, vector<8x128xf32>
    %broadcast_in_dim3A_13 = vector.shape_cast %get3A_12 : vector<8x128xf32> to vector<8x1x128xf32>
    %sub3A = vector.broadcast %broadcast_in_dim3A : vector<8x1x128xf32> to vector<8x512x128xf32>
    %sub3A_14 = arith.subf %get3A_2, %sub3A : vector<8x512x128xf32>
    %integer_pow3A = arith.mulf %sub3A_14, %sub3A_14 : vector<8x512x128xf32>
    %neg3A = arith.constant 0.000000e+00 : f32
    %neg3A_15 = vector.broadcast %neg3A : f32 to vector<8x512x128xf32>
    %neg3A_16 = arith.subf %neg3A_15, %integer_pow3A : vector<8x512x128xf32>
    %mul3A = arith.constant 2.000000e+00 : f32
    %mul3A_17 = vector.broadcast %mul3A : f32 to vector<8x1x128xf32>
    %mul3A_18 = arith.mulf %mul3A_17, %broadcast_in_dim3A_9 : vector<8x1x128xf32>
    %div3A = vector.broadcast %mul3A_18 : vector<8x1x128xf32> to vector<8x512x128xf32>
    %div3A_19 = arith.divf %neg3A_16, %div3A : vector<8x512x128xf32>
    %exp3A = math.exp %div3A_19 : vector<8x512x128xf32>
    %swap3A = arith.constant 0 : index
    %swap3A_20 = arith.constant 0 : index
    %swap3A_21 = arith.constant 0 : index
    %swap3A_22 = vector.load %arg5[%swap3A, %swap3A_20, %swap3A_21] : memref<8x512x128xf32, #tpu.memory_space<vmem>>, vector<8x512x128xf32>
    tpu.vector_store %arg5[%swap3A, %swap3A_20, %swap3A_21], %exp3A {strides = array<i32>} : memref<8x512x128xf32, #tpu.memory_space<vmem>>, vector<8x512x128xf32>,
    %reduce_sum3A = arith.constant dense<0.000000e+00> : vector<8x128xf32>
    %reduce_sum3A_23 = vector.multi_reduction <add>, %exp3A, %reduce_sum3A [1] : vector<8x512x128xf32> to vector<8x128xf32>
    %broadcast_in_dim3A_24 = vector.shape_cast %reduce_sum3A_23 : vector<8x128xf32> to vector<8x1x128xf32>
    %jit3A = arith.constant 9.99999993E-9 : f32
    %max3A = vector.broadcast %jit3A : f32 to vector<8x1x128xf32>
    %max3A_25 = arith.maximumf %max3A, %broadcast_in_dim3A_24 : vector<8x1x128xf32>
    %div3A_26 = vector.broadcast %max3A_25 : vector<8x1x128xf32> to vector<8x512x128xf32>
    %div3A_27 = arith.divf %exp3A, %div3A_26 : vector<8x512x128xf32>
    %reduce_max3A = arith.constant dense<0xFF800000> : vector<8x128xf32>
    %reduce_max3A_28 = vector.multi_reduction <maximumf>, %div3A_27, %reduce_max3A [1] : vector<8x512x128xf32> to vector<8x128xf32>
    %broadcast_in_dim3A_29 = vector.shape_cast %reduce_max3A_28 : vector<8x128xf32> to vector<8x1x128xf32>
    %mul3A_30 = arith.constant 5.000000e-01 : f32
    %mul3A_31 = vector.broadcast %mul3A_30 : f32 to vector<8x1x128xf32>
    %mul3A_32 = arith.mulf %broadcast_in_dim3A_29, %mul3A_31 : vector<8x1x128xf32>
    %jit3A_33 = arith.constant 1.000000e-01 : f32
    %min3A = vector.broadcast %jit3A_33 : f32 to vector<8x1x128xf32>
    %min3A_34 = arith.minimumf %min3A, %mul3A_32 : vector<8x1x128xf32>
    %ge3A = vector.broadcast %min3A_34 : vector<8x1x128xf32> to vector<8x512x128xf32>
    %ge3A_35 = arith.cmpf oge, %div3A_27, %ge3A : vector<8x512x128xf32>
    %convert_element_type3A = arith.extui %ge3A_35 : vector<8x512x128xi1> to vector<8x512x128xi32>
    %convert_element_type3A_36 = arith.sitofp %convert_element_type3A : vector<8x512x128xi32> to vector<8x512x128xf32>
    %swap3A_37 = arith.constant 0 : index
    %swap3A_38 = arith.constant 0 : index
    %swap3A_39 = arith.constant 0 : index
    %swap3A_40 = vector.load %arg6[%swap3A_37, %swap3A_38, %swap3A_39] : memref<8x512x128xf32, #tpu.memory_space<vmem>>, vector<8x512x128xf32>
    tpu.vector_store %arg6[%swap3A_37, %swap3A_38, %swap3A_39], %convert_element_type3A_36 {strides = array<i32>} : memref<8x512x128xf32, #tpu.memory_space<vmem>>, vector<8x512x128xf32>,
    %mul3A_41 = arith.mulf %get3A_2, %convert_element_type3A_36 : vector<8x512x128xf32>
    %mul3A_42 = vector.broadcast %broadcast_in_dim3A_13 : vector<8x1x128xf32> to vector<8x512x128xf32>
    %mul3A_43 = arith.mulf %mul3A_41, %mul3A_42 : vector<8x512x128xf32>
    %reduce_sum3A_44 = arith.constant dense<0.000000e+00> : vector<8x512xf32>
    %reduce_sum3A_45 = vector.multi_reduction <add>, %mul3A_43, %reduce_sum3A_44 [2] : vector<8x512x128xf32> to vector<8x512xf32>
    %swap3A_46 = arith.constant 0 : index
    %swap3A_47 = arith.constant 0 : index
    %swap3A_48 = vector.load %arg7[%swap3A_46, %swap3A_47] : memref<8x512xf32, #tpu.memory_space<vmem>>, vector<8x512xf32>
    tpu.vector_store %arg7[%swap3A_46, %swap3A_47], %reduce_sum3A_45 {strides = array<i32>} : memref<8x512xf32, #tpu.memory_space<vmem>>, vector<8x512xf32>,
    return
  }
  func.func @transform_0(%arg0: i32) -> (i32, i32, i32) {
    %c0_i32 = arith.constant 0 : i32
    %c0_i32_0 = arith.constant 0 : i32
    %c0_i32_1 = arith.constant 0 : i32
    return %arg0, %c0_i32, %c0_i32_0 : i32, i32, i32
  }
  func.func @transform_1(%arg0: i32) -> (i32, i32) {
    %c0_i32 = arith.constant 0 : i32
    %c0_i32_0 = arith.constant 0 : i32
    return %arg0, %c0_i32 : i32, i32
  }
  func.func @transform_2(%arg0: i32) -> (i32, i32) {
    %c0_i32 = arith.constant 0 : i32
    %c0_i32_0 = arith.constant 0 : i32
    return %arg0, %c0_i32 : i32, i32
  }
  func.func @transform_3(%arg0: i32) -> (i32, i32) {
    %c0_i32 = arith.constant 0 : i32
    %c0_i32_0 = arith.constant 0 : i32
    return %arg0, %c0_i32 : i32, i32
  }
  func.func @transform_4(%arg0: i32) -> (i32, i32, i32) {
    %c0_i32 = arith.constant 0 : i32
    %c0_i32_0 = arith.constant 0 : i32
    %c0_i32_1 = arith.constant 0 : i32
    return %arg0, %c0_i32, %c0_i32_0 : i32, i32, i32
  }
  func.func @transform_5(%arg0: i32) -> (i32, i32, i32) {
    %c0_i32 = arith.constant 0 : i32
    %c0_i32_0 = arith.constant 0 : i32
    %c0_i32_1 = arith.constant 0 : i32
    return %arg0, %c0_i32, %c0_i32_0 : i32, i32, i32
  }
  func.func @transform_6(%arg0: i32) -> (i32, i32) {
    %c0_i32 = arith.constant 0 : i32
    %c0_i32_0 = arith.constant 0 : i32
    return %arg0, %c0_i32 : i32, i32
  }
}

</mosaic_0001>

<sc_bundles>
// kernel: gather_offload_async_start
scs
__scs_entry_jumppad:
0x0: {  	(pc) =	sbr.rel $0x88, $3  }
0x1: {  	(tag) =	ssettag $0x0;
	lr =	simm.s32 $0x1  }
0x2: {  	[smem:$0x3F9B] =	sst lr;
	_ =	strace $0xD0000000  }
0x3: {  	_ = 	snop  }
0x4: {  	_ = 	snop  }
0x5: {  	_ = 	snop  }
0x6: {  	_ = 	snop  }
0x7: {  	_ = 	snop  }
__scs_overlays_trampoline_lowered:
0x8: {  	[smem:$0x3FAA] =	sst s0  }
0x9: {  	[smem:$0x3FAB] =	sst s1  }
0xa: {  	[smem:$0x3FAC] =	sst s2  }
0xb: {  	[smem:$0x3FAD] =	sst s3  }
0xc: {  	[smem:$0x3FAE] =	sst s4  }
0xd: {  	[smem:$0x3FAF] =	sst s5  }
0xe: {  	[smem:$0x3FB0] =	sst s6  }
0xf: {  	[smem:$0x3FB1] =	sst s7  }
0x10: {  	[smem:$0x3FB2] =	sst s8  }
0x11: {  	[smem:$0x3FB3] =	sst s9;
	s0 =	simm.s32 @!p0 $0x0  }
0x12: {  	s1 =	sld [smem:$0x3F99];
	s0 =	simm.s32 @p0 $0x1  }
0x13: {  	[smem:$0x3FB4] =	sst s0;
	s0 =	simm.s32 @!p1 $0x0  }
0x14: {  	s2 =	sld [smem:$0x3F98];
	s0 =	simm.s32 @p1 $0x1  }
0x15: {  	[smem:$0x3FB5] =	sst s0;
	s0 =	simm.s32 @!p2 $0x0  }
0x16: {  	s3 =	sld [smem:$0x3FDB];
	s0 =	simm.s32 @p2 $0x1  }
0x17: {  	s4 =	simm.s32 $0x1BF5;
	[smem:$0x3FB7] =	sst s0  }
0x18: {  	s0 =	sld [smem:$0x3F9A];
	_ =	swait.ge [sflag:s4], $0x0  }
0x19: {  	s7 =	sld [smem:$0x3F9B]  }
0x1a: {  	s8 =	sadd.s32 $0xFFFFE003, lr  }
0x1b: {  	s9 =	sadd.s32 $0xFFFFFEF7, lr;
	s5 =	simm.s32 $0xFFFFFFFF;
	p2 =	slt.u32 s8, $0xFFFFF086  }
0x1c: {  	p1 =	slt.u32 s9, $0xF7A;
	s5 =	simm.s32 @!p2 $0x0  }
0x1d: {  	s5 =	simm.s32 @p1 $0x1;
	p0 =	seq.s32 s7, s2  }
0x1e: {  	s7 =	smul.u32 @!p0 $0xF7A, s2;
	p2 =	seq.s32 @!p0 s5, $0x0  }
0x1f: {  	s9 =	smul.u32 $0xF7A, s1;
	s8 =	simm.s32 @!p0 $0x1BF5;
	p2 =	por !p2, p0  }
0x20: {  	[sflag:s8] =	ssyncset.s32 @!p0 $0xFFFFF086;
	s6 =	sadd.s32 @!p0 s3, s7;
	s7 =	simm.s32 @!p0 $0x108  }
0x21: {  	s3 =	sadd.s32 s3, s9;
	s6 =	sadd.s32 @!p0 $0x88, s6;
	s7 =	simm.s32 @p2 $0x1082  }
0x22: {  	[simem:s7], [sflag:s8] =	dma.local @!p0 [hbm:s6], $0xF7A  }
0x23: {  	s9 =	sor.u32 $0xD0000000, s2;
	s6 =	simm.s32 $0x108;
	_ =	swait.ge @!p0 [sflag:s8], $0x0  }
0x24: {  	s3 =	sadd.s32 $0x88, s3;
	s6 =	simm.s32 @!p1 $0x1082;
	[sflag:s4] =	ssyncset.s32 $0xFFFFF086  }
0x25: {  	[simem:s6], [sflag:s4] =	dma.local [hbm:s3], $0xF7A  }
0x26: {  	[smem:$0x3F9B] =	sst s1;
	(tag) =	ssettag s2;
	_ =	strace s9  }
0x27: {  	s1 =	sld [smem:$0x3FAB]  }
0x28: {  	s2 =	sld [smem:$0x3FAC]  }
0x29: {  	s4 =	sld [smem:$0x3FAE]  }
0x2a: {  	p0 =	seq.s32 s5, $0x0;
	s5 =	sld [smem:$0x3FAF]  }
0x2b: {  	s6 =	sld [smem:$0x3FB0]  }
0x2c: {  	s7 =	sld [smem:$0x3FB1]  }
0x2d: {  	s3 =	simm.s32 $0x108;
	s8 =	sld [smem:$0x3FB2]  }
0x2e: {  	s3 =	simm.s32 @!p0 $0x1082;
	s9 =	sld [smem:$0x3FB3]  }
0x2f: {  	lr =	sadd.s32 s0, s3;
	s0 =	sld [smem:$0x3FAA]  }
0x30: {  	s3 =	sld [smem:$0x3FAD]  }
0x31: {  	[smem:$0x3FB6] =	sst s10  }
0x32: {  	s10 =	sld [smem:$0x3FB4];
	_ =	sdelay $0x3  }
0x33: {  	p0 =	seq.s32 s10, $0x1;
	s10 =	sld [smem:$0x3FB6];
	_ =	sdelay $0x3  }
0x34: {  	[smem:$0x3FB6] =	sst s10  }
0x35: {  	s10 =	sld [smem:$0x3FB5];
	_ =	sdelay $0x3  }
0x36: {  	p1 =	seq.s32 s10, $0x1;
	s10 =	sld [smem:$0x3FB6];
	_ =	sdelay $0x3  }
0x37: {  	[smem:$0x3FB6] =	sst s10  }
0x38: {  	s10 =	sld [smem:$0x3FB7]  }
0x39: {  	_ = 	snop;
	(pc) =	sbr.ind lr, $3  }
0x3a: {  	_ = 	snop  }
0x3b: {  	_ = 	snop  }
0x3c: {  	p2 =	seq.s32 s10, $0x1;
	s10 =	sld [smem:$0x3FB6]  }
0x3d: {  	_ =	shalt  }
0x3e: {  	_ =	shalt  }
0x3f: {  	_ =	shalt  }
0x40: {  	_ =	shalt  }
0x41: {  	_ =	shalt  }
0x42: {  	_ =	shalt  }
0x43: {  	_ =	shalt  }
0x44: {  	_ =	shalt  }
0x45: {  	_ =	shalt  }
0x46: {  	_ =	shalt  }
0x47: {  	_ =	shalt  }
0x48: {  	_ =	shalt  }
0x49: {  	_ =	shalt  }
0x4a: {  	_ =	shalt  }
0x4b: {  	_ =	shalt  }
0x4c: {  	_ =	shalt  }
0x4d: {  	_ =	shalt  }
0x4e: {  	_ =	shalt  }
0x4f: {  	_ =	shalt  }
0x50: {  	_ =	shalt  }
0x51: {  	_ =	shalt  }
0x52: {  	_ =	shalt  }
0x53: {  	_ =	shalt  }
0x54: {  	_ =	shalt  }
0x55: {  	_ =	shalt  }
0x56: {  	_ =	shalt  }
0x57: {  	_ =	shalt  }
0x58: {  	_ =	shalt  }
0x59: {  	_ =	shalt  }
0x5a: {  	_ =	shalt  }
0x5b: {  	_ =	shalt  }
0x5c: {  	_ =	shalt  }
0x5d: {  	_ =	shalt  }
0x5e: {  	_ =	shalt  }
0x5f: {  	_ =	shalt  }
0x60: {  	_ =	shalt  }
0x61: {  	_ =	shalt  }
0x62: {  	_ =	shalt  }
0x63: {  	_ =	shalt  }
0x64: {  	_ =	shalt  }
0x65: {  	_ =	shalt  }
0x66: {  	_ =	shalt  }
0x67: {  	_ =	shalt  }
0x68: {  	_ =	shalt  }
0x69: {  	_ =	shalt  }
0x6a: {  	_ =	shalt  }
0x6b: {  	_ =	shalt  }
0x6c: {  	_ =	shalt  }
0x6d: {  	_ =	shalt  }
0x6e: {  	_ =	shalt  }
0x6f: {  	_ =	shalt  }
0x70: {  	_ =	shalt  }
0x71: {  	_ =	shalt  }
0x72: {  	_ =	shalt  }
0x73: {  	_ =	shalt  }
0x74: {  	_ =	shalt  }
0x75: {  	_ =	shalt  }
0x76: {  	_ =	shalt  }
0x77: {  	_ =	shalt  }
0x78: {  	_ =	shalt  }
0x79: {  	_ =	shalt  }
0x7a: {  	_ =	shalt  }
0x7b: {  	_ =	shalt  }
0x7c: {  	_ =	shalt  }
0x7d: {  	_ =	shalt  }
0x7e: {  	_ =	shalt  }
0x7f: {  	_ =	shalt  }
0x80: {  	_ =	shalt  }
0x81: {  	_ =	shalt  }
0x82: {  	_ =	shalt  }
0x83: {  	_ =	shalt  }
0x84: {  	_ =	shalt  }
0x85: {  	_ =	shalt  }
0x86: {  	_ =	shalt  }
0x87: {  	_ =	shalt  }
.Lfunc_end0:
.L_simem_size_0:
called_computation.3_lowered:
.L_overlay_start_0:
0x88: {  	s2 =	sld [smem:$0x3FD9]  }
0x89: {  	s3 =	sld [smem:$0x3FFE];
	_ =	sdelay $0x1  }
0x8a: {  	s1 =	srdreg.scid  }
0x8b: {  	s0 =	sand.u32 $0x1, s1  }
0x8c: {  	s14 =	sshll.u32 s0, $0xA;
	s2 =	sadd.s32 s3, s2  }
0x8d: {  	s2 =	sadd.s32 s2, s14  }
0x8e: {  	[smem:$0x3FC2] =	sst s2  }
0x8f: {  	_ = 	snop  }
0x90: {  	s2 =	sld [smem:$0x3FD0];
	_ =	sdelay $0x2  }
0x91: {  	s15 =	simm.s32 $0xB;
	s4 =	simm.s32 $0x10  }
0x92: {  	[smem:s4], [sflag:s15] =	dma.local [hbm:s2], $0x1  }
0x93: {  	_ =	swait.eq [sflag:s15], $0x1  }
0x94: {  	[sflag:s15] =	ssyncset.done $0x0  }
0x95: {  	s16 =	sld [smem:$0x10];
	[sflag:s15] =	ssyncadd.s32 $0xFFFFFFFF  }
0x96: {  	s17 =	sld [smem:$0x11];
	(tm) =	ssettm $0x1  }
0x97: {  	s18 =	sld [smem:$0x3FFB];
	_ =	sdelay $0x3  }
0x98: {  	_ =	strace s18  }
0x99: {  	s4 =	sld [smem:$0x3FFC];
	_ =	sdelay $0x3  }
0x9a: {  	_ =	strace s4  }
0x9b: {  	s4 =	sld [smem:$0x3FFD];
	_ =	sdelay $0x3  }
0x9c: {  	_ =	strace s4  }
0x9d: {  	_ =	strace $0x8FFFFFFF  }
0x9e: {  	s19 =	sld [smem:$0x3FDB];
	_ =	sdelay $0x1  }
0x9f: {  	s5 =	simm.s32 $_scs_section_size  }
0xa0: {  	s6 =	simm.s32 $_size__tile_overlayer_lowered;
	s7 =	simm.s32 $_tile_overlayer_lowered  }
0xa1: {  	s22 =	simm.s32 $0x1BFF;
	s21 =	sshll.u32 s7, $0x1;
	s4 =	sadd.s32 s5, s19  }
0xa2: {  	s8 =	simm.s32 $0x0;
	s20 =	sshll.u32 s6, $0x1;
	s6 =	sadd.s32 s21, s4  }
0xa3: {  	[timem:s8], [sflag:s22] =	dma.local [hbm:s6], s20  }
0xa4: {  	_ =	swait.ge [sflag:s22], s20  }
0xa5: {  	s5 =	ssub.s32 $0x0, s20;
	[sflag:s22] =	ssyncset.done $0x0  }
0xa6: {  	[sflag:s22] =	ssyncadd.s32 s5;
	_ =	sdelay $0x1  }
0xa7: {  	s23 =	simm.s32 $0x1B8B  }
0xa8: {  	_ =	swait.ge [sflag:s23], $0x1  }
0xa9: {  	[sflag:s23] =	ssyncset.done $0x0  }
0xaa: {  	s25 =	simm.s32 $0x1B8E;
	s24 =	sld [smem:$0x3FFE];
	[sflag:s23] =	ssyncadd.s32 $0xFFFFFFFF  }
0xab: {  	s26 =	simm.s32 $execute0_lowered;
	[smem:$0x3FD2] =	sst s25  }
0xac: {  	s6 =	sshll.u32 s26, $0x1;
	_ =	strace $0x8000004F;
	[dreg:$0x1] =	wrdreg $0xFFFFFFFF  }
0xad: {  	s28 =	simm.s32 $_size_execute0_lowered;
	s4 =	sadd.s32 s4, s6;
	[dreg:$0x0] =	wrdreg $0x0  }
0xae: {  	s6 =	sshll.u32 s28, $0x1;
	[dreg:$0x2] =	wrdreg s4  }
0xaf: {  	[dreg:$0x3] =	wrdreg s6  }
0xb0: {  	[dreg:$0x4] =	wrdreg $0xC0  }
0xb1: {  	_ =	task [dreg:s8], $0x5FFFF  }
0xb2: {  	[dreg:$0x1] =	wrdreg $0xFFFFFFFF  }
0xb3: {  	[dreg:$0x0] =	wrdreg $0x60  }
0xb4: {  	[dreg:$0x2] =	wrdreg s24  }
0xb5: {  	[dreg:$0x3] =	wrdreg s16  }
0xb6: {  	[dreg:$0x4] =	wrdreg s17  }
0xb7: {  	[dreg:$0x5] =	wrdreg $0x9  }
0xb8: {  	_ =	task.clear_ibuf [dreg:s8], $0x6FFFF;
	_ =	strace $0x9000004F  }
0xb9: {  	s29 =	simm.s32 $0x9;
	_ =	strace $0x80000051  }
0xba: {  	_ =	swait.ge [sflag:s29], $0x1  }
0xbb: {  	[sflag:s29] =	ssyncadd.s32 $0xFFFFFFFF  }
0xbc: {  	_ =	strace $0x90000051  }
0xbd: {  	_ =	sfence  }
0xbe: {  	s30 =	sld [smem:$0x0];
	_ =	sdelay $0x2  }
0xbf: {  	s31 =	sshll.u32 s1, $0xD;
	s1 =	sshrl.u32 s1, $0x2  }
0xc0: {  	s3 =	sand.u32 $0x4000, s31;
	s1 =	sadd.s32 s1, s30  }
0xc1: {  	s0 =	sor.u32 s3, s0;
	s1 =	sshll.u32 s1, $0x11  }
0xc2: {  	s0 =	sor.u32 s1, s0  }
0xc3: {  	s0 =	sadd.s32 $0x8F2B, s0  }
0xc4: {  	[sflag:s0] =	ssyncadd.remote.s32 $0x1  }
0xc5: {  	_ =	sfence.sel $0xFFFF  }
0xc6: {  	[dreg:$0x0] =	wrdreg $0xFFFFFFFF;
	(pc) =	sbr.abs _section_cstart, $3  }
0xc7: {  	[dreg:$0x1] =	wrdreg $0xFFFFFFFF  }
0xc8: {  	_ =	task.clear_ibuf [dreg:s8], $0x2FFFF;
	_ =	strace $0x9FFFFFFF  }
0xc9: {  	(tm) =	ssettm $0x7FFFFFFF  }
tec
execute0_lowered:
.L_overlay_start_1:
0x0: {  	(tag) =	ssettag $0x1  }
0x1: {  	s5 =	rddreg [dreg:$0x0]  }
0x2: {  	s1 =	srdreg.scid;
	s2 =	rddreg [dreg:$0x1]  }
0x3: {  	s0 =	stileid.u32;
	s3 =	rddreg [dreg:$0x2]  }
0x4: {  	s9 =	simm.s32 $0x1;
	s10 =	simm.s32 $0x3;
	s1 =	sshll.u32 s1, $0xD  }
0x5: {  	s13 =	simm.s32 $0x0;
	s4 =	sshll.u32 s0, $0xE;
	s6 =	sand.u32 $0x2000, s1  }
0x6: {  	s12 =	simm.s32 $0x0;
	s5 =	sadd.s32 $0xC80000, s5;
	s4 =	sor.u32 s4, s6  }
0x7: {  	s1 =	rddreg [dreg:$0x3];
	_ =	strace $0x80000050;
	s8 =	ssub.s32 $0x80000, s4  }
.Ltmp0:
0x8: {  	s6 =	simm.s32 $0x1;
	s7 =	sand.u32 $0x3E000, s8;
	(pc) =	sbr.rel .LBB2_1-.Ltmp0, $4  }
0x9: {  	[sflag:s6] =	ssyncpa.u1 $0x0;
	s11 =	smov.u32 s4;
	p0 =	sne.s32 s7, $0x0  }
0xa: {  	s8 =	sshrl.u32 s8, $0x12;
	s7 =	simm.s32 $0x2;
	s9 =	simm.s32 @!p0 $0x0  }
0xb: {  	[sflag:s7] =	ssyncpa.u1 $0x0;
	p0 =	por $0x0, $0x0;
	s8 =	sadd.s32 s9, s8  }
0xc: {  	vm0 =	vmmov $0xffff;
	[sflag:s10] =	ssyncpa.u1 $0x0;
	s10 =	simm.s32 $0x0;
	s9 =	sadd.s32 $0x1, s8  }
.LBB2_4:
0xd: {  	vm1 =	veq.s32 v0, $0x80000000;
	v63 =	vand.u32 $0x3FF, v0;
	v2 =	vand.u32 $0x7FF, v2  }
0xe: {  	v0 =	vsel vm1, $0xFFFFFFFF, v63;
	v2 =	vsel vm1, $0xFFFFFFFF, v2  }
0xf: {  	v3 =	vshll.u32 v0, $0xB;
	v4 =	vshll.u32 v2, $0x3  }
0x10: {  	v0 =	vshll.u32 v0, $0x7;
	v3 =	vand.u32 $0xFFFFC000, v3;
	v4 =	vand.u32 $0xFFFFFC00, v4  }
0x11: {  	v0 =	vand.u32 $0x380, v0;
	v3 =	vadd.s32 v3, v4  }
0x12: {  	v2 =	vand.u32 $0x7F, v2;
	v0 =	vor.u32 v0, v3  }
0x13: {  	v0 =	vor.u32 v2, v0;
	_ =	sdelay $0x1  }
0x14: {  	(ifvalue) =	ssetifvalue $0x7FFFFFFF;
	s14 =	sadd.s32 $0x10, s14  }
0x15: {  	[tilespmem:s14], [sflag:$0x1] =	stream.indirect_vreg.gather [hbm4b:s5+s10], $0x1, v1, vm0, $0x4038;
	[tilespmem:$0x8000] =	vst v63  }
0x16: {  	(ifvalue) =	ssetifvalue $0x7FFFFFFF;
	s14 =	sadd.s32 $0x10, s14  }
0x17: {  	[tilespmem:s14], [sflag:$0x1] =	stream.indirect_vreg.gather [hbm4b:s5+s10], $0x1, v0, vm0, $0x4038;
	[tilespmem:$0x8000] =	vst v63  }
0x18: {  	_ =	swait.ge [sflag:s6], $0x2000  }
0x19: {  	s30 =	sshrl.u32 s13, $0x3;
	[sflag:s6] =	ssyncset.done $0x0  }
0x1a: {  	s31 =	sand.u32 $0x7, s13;
	s14 =	sadd.s32 s3, s30;
	[sflag:s6] =	ssyncadd.s32 $0xFFFFE000  }
0x1b: {  	[hbm4b:s14+s31] =	stream.linear.scatter [tilespmem:s15], [sflag:$0x3], $0x2000, $0x38;
	[tilespmem:$0x8000] =	vst v63  }
.LBB2_5:
0x1c: {  	s15 =	sadd.s32 $0x40000, s11  }
0x1d: {  	p2 =	sgt.s32 s15, $0x7FFFF  }
0x1e: {  	s15 =	smov.u32 @p2 s4;
	p2 =	sne.s32 s12, s9  }
.Ltmp1:
0x1f: {  	p1 =	slt.u32 s12, $0x2;
	(pc) =	sbr.rel @!p2 .LBB2_6-.Ltmp1, $4  }
0x20: {  	s14 =	simm.s32 @!p1 $0x3  }
0x21: {  	s16 =	sadd.s32 $0x1, s12;
	_ =	swait.ge @!p1 [sflag:s14], $0x2000  }
0x22: {  	s13 =	smov.u32 s11;
	p0 =	por !p0, !p0;
	[sflag:s14] =	ssyncset.done @!p1 $0x0  }
0x23: {  	s12 =	smov.u32 s16;
	s11 =	smov.u32 s15;
	[sflag:s14] =	ssyncadd.s32 @!p1 $0xFFFFE000  }
.LBB2_1:
0x24: {  	p1 =	sge.u32 s12, s8  }
0x25: {  	s14 =	sxor.u32 @!p1 $0xFFFFFFFF, s12  }
0x26: {  	s31 =	sadd.s32 $0xFFFFFFFF, s12;
	s15 =	sshrl.u32 @!p1 s11, $0x3;
	s14 =	sshll.u32 @!p1 s14, $0xD  }
0x27: {  	s16 =	sand.u32 @!p1 $0x7, s11;
	s15 =	sadd.s32 @!p1 s2, s15;
	s14 =	sand.u32 @!p1 $0x2000, s14  }
0x28: {  	[tilespmem:s14], [sflag:$0x2] =	stream.linear.gather @!p1 [hbm4b:s15+s16], $0x2000, $0x38;
	[tilespmem:$0x8000] =	vst v63  }
0x29: {  	p1 =	sge.u32 s31, s8  }
.Ltmp2:
0x2a: {  	_ = 	snop;
	(pc) =	sbr.rel @p1 .LBB2_5-.Ltmp2, $1  }
0x2b: {  	_ =	sdelay $0x3  }
0x2c: {  	s14 =	simm.s32 $0x1  }
0x2d: {  	_ =	swait.ge [sflag:s7], $0x2000;
	s14 =	simm.s32 @!p0 $0x0  }
0x2e: {  	[sflag:s7] =	ssyncset.done $0x0;
	s14 =	sshll.u32 s14, $0xD  }
0x2f: {  	[sflag:s7] =	ssyncadd.s32 $0xFFFFE000;
	(ifvalue) =	ssetifvalue $0x7FFFFFFF;
	v0 =	vld.msk [tilespmem:s14+$0x0 ss:$0x1], $0xffff;
	_ =	sdelay $0x3  }
0x30: {  	s15 =	sadd.s32 $0x10, s14  }
0x31: {  	v2 =	vld.msk [tilespmem:s15+$0x0 ss:$0x1], $0xffff;
	v1 =	vshrl.u32 v0, $0xA  }
0x32: {  	vm1 =	veq.s32 v0, $0x80000000;
	v0 =	vand.u32 $0x3FF, v0;
	v1 =	vand.u32 $0x7FF, v1  }
0x33: {  	v0 =	vsel vm1, $0xFFFFFFFF, v0;
	v1 =	vsel vm1, $0xFFFFFFFF, v1  }
0x34: {  	v3 =	vshll.u32 v0, $0xB;
	v4 =	vshll.u32 v1, $0x3  }
0x35: {  	v0 =	vshll.u32 v0, $0x7;
	v3 =	vand.u32 $0xFFFFC000, v3;
	v4 =	vand.u32 $0xFFFFFC00, v4  }
0x36: {  	vm1 =	veq.s32 v2, $0x80000000;
	v0 =	vand.u32 $0x380, v0;
	v3 =	vadd.s32 v3, v4  }
0x37: {  	v1 =	vand.u32 $0x7F, v1;
	v0 =	vor.u32 v0, v3;
	v3 =	vshrl.u32 v2, $0xA  }
0x38: {  	s17 =	sadd.s32 $0x10, s15;
	v2 =	vand.u32 $0x3FF, v2;
	v1 =	vor.u32 v1, v0;
	v3 =	vand.u32 $0x7FF, v3  }
0x39: {  	v0 =	vld.msk [tilespmem:s17+$0x0 ss:$0x1], $0xffff;
	v2 =	vsel vm1, $0xFFFFFFFF, v2;
	v3 =	vsel vm1, $0xFFFFFFFF, v3  }
0x3a: {  	v63 =	vshll.u32 v2, $0xB;
	v5 =	vshll.u32 v3, $0x3  }
0x3b: {  	s31 =	sshll.u32 s12, $0xD;
	v2 =	vshll.u32 v2, $0x7;
	v4 =	vand.u32 $0xFFFFC000, v63;
	v5 =	vand.u32 $0xFFFFFC00, v5  }
0x3c: {  	s14 =	sor.u32 $0x4000, s14;
	s15 =	sand.u32 $0x2000, s31;
	(ifvalue) =	ssetifvalue $0x7FFFFFFF;
	v2 =	vand.u32 $0x380, v2;
	v4 =	vadd.s32 v4, v5  }
0x3d: {  	[tilespmem:s14], [sflag:$0x1] =	stream.indirect_vreg.gather [hbm4b:s5+s10], $0x1, v1, vm0, $0x4038;
	v1 =	vand.u32 $0x7F, v3;
	v3 =	vor.u32 v2, v4;
	[tilespmem:$0x8000] =	vst v63  }
0x3e: {  	s16 =	simm.s32 $0x20;
	s15 =	sor.u32 $0x4000, s15;
	s17 =	sadd.s32 $0x10, s17;
	v2 =	vshrl.u32 v0, $0xA;
	v1 =	vor.u32 v1, v3  }
.LBB2_3:
0x3f: {  	s16 =	sadd.s32 $0x10, s16;
	vm1 =	veq.s32 v0, $0x80000000;
	v3 =	vand.u32 $0x3FF, v0;
	v0 =	vld.msk [tilespmem:s17+$0x0 ss:$0x1], $0xffff;
	v2 =	vand.u32 $0x7FF, v2  }
0x40: {  	p1 =	slt.u32 s16, $0x1FF0;
	v3 =	vsel vm1, $0xFFFFFFFF, v3;
	v2 =	vsel vm1, $0xFFFFFFFF, v2  }
.Ltmp3:
0x41: {  	v4 =	vshll.u32 v3, $0xB;
	v5 =	vshll.u32 v2, $0x3;
	(pc) =	sbr.rel @p1 .LBB2_3-.Ltmp3, $4  }
0x42: {  	s14 =	sadd.s32 $0x10, s14;
	v3 =	vshll.u32 v3, $0x7;
	v4 =	vand.u32 $0xFFFFC000, v4;
	v5 =	vand.u32 $0xFFFFFC00, v5;
	(ifvalue) =	ssetifvalue $0x7FFFFFFF  }
0x43: {  	v3 =	vand.u32 $0x380, v3;
	v4 =	vadd.s32 v4, v5;
	[tilespmem:s14], [sflag:$0x1] =	stream.indirect_vreg.gather [hbm4b:s5+s10], $0x1, v1, vm0, $0x4038;
	[tilespmem:$0x8000] =	vst v63  }
0x44: {  	v1 =	vand.u32 $0x7F, v2;
	v3 =	vor.u32 v3, v4  }
0x45: {  	s17 =	sadd.s32 $0x10, s17;
	v2 =	vshrl.u32 v0, $0xA;
	v1 =	vor.u32 v1, v3  }
.Ltmp4:
0x46: {  	_ = 	snop;
	(pc) =	sbr.rel .LBB2_4-.Ltmp4, $1  }
0x47: {  	_ =	sdelay $0x3  }
.LBB2_6:
0x48: {  	_ =	sfence.sel $0x180000  }
0x49: {  	s2 =	simm.s32 $0x2;
	[bflag:$0x0] =	sbarrier.arrive $0xFFFF  }
0x4a: {  	s30 =	simm.s32 $0x3;
	[sflag:s2] =	ssyncpa.u1 $0x1  }
0x4b: {  	s31 =	simm.s32 $0x1;
	[sflag:s30] =	ssyncpa.u1 $0x1  }
0x4c: {  	[sflag:s31] =	ssyncpa.u1 $0x1  }
0x4d: {  	p0 =	sne.s32 s0, $0x0;
	_ =	strace $0x90000050  }
0x4e: {  	s0 =	sadd.s32 @!p0 $0x100000, s1;
	[bflag:$0x2] =	sbarrier.arrive $0xFFFF  }
0x4f: {  	[sflag:s0] =	ssyncadd.tile.s32 @!p0 $0x1;
	_ =	shalt  }
.Lfunc_end2:
_tile_overlayer_lowered:
.L_overlay_start_2:
0x50: {  	(tag) =	ssettag $0x2  }
0x51: {  	s0 =	rddreg [dreg:$0x0];
	s2 =	stileid.u32  }
0x52: {  	s1 =	rddreg [dreg:$0x1];
	p0 =	sne.s32 s2, $0x0  }
0x53: {  	s3 =	rddreg [dreg:$0x2];
	[bflag:$0x3] =	sbarrier.arrive $0xFFFF;
	s2 =	simm.s32 @!p0 $0x1C01  }
0x54: {  	[timem:s3], [sflag:s2] =	dma.local @!p0 [hbm:s0], s1  }
0x55: {  	s0 =	simm.s32 @!p0 $0x1  }
0x56: {  	_ =	swait.ge @!p0 [sflag:s0], s1  }
0x57: {  	s1 =	ssub.s32 @!p0 $0x0, s1;
	[sflag:s0] =	ssyncset.done @!p0 $0x0  }
0x58: {  	[sflag:s0] =	ssyncadd.s32 @!p0 s1  }
0x59: {  	[bflag:$0x3] =	sbarrier.arrive $0xFFFF  }
0x5a: {  	_ =	shalt  }

// kernel: kernel.6.cloned.1.call-start
scs
__scs_entry_jumppad:
0x0: {  	(pc) =	sbr.rel $0x88, $3  }
0x1: {  	(tag) =	ssettag $0x0;
	lr =	simm.s32 $0x1  }
0x2: {  	[smem:$0x3F9B] =	sst lr;
	_ =	strace $0xD0000000  }
0x3: {  	_ = 	snop  }
0x4: {  	_ = 	snop  }
0x5: {  	_ = 	snop  }
0x6: {  	_ = 	snop  }
0x7: {  	_ = 	snop  }
__scs_overlays_trampoline_lowered:
0x8: {  	[smem:$0x3FAA] =	sst s0  }
0x9: {  	[smem:$0x3FAB] =	sst s1  }
0xa: {  	[smem:$0x3FAC] =	sst s2  }
0xb: {  	[smem:$0x3FAD] =	sst s3  }
0xc: {  	[smem:$0x3FAE] =	sst s4  }
0xd: {  	[smem:$0x3FAF] =	sst s5  }
0xe: {  	[smem:$0x3FB0] =	sst s6  }
0xf: {  	[smem:$0x3FB1] =	sst s7  }
0x10: {  	[smem:$0x3FB2] =	sst s8  }
0x11: {  	[smem:$0x3FB3] =	sst s9;
	s0 =	simm.s32 @!p0 $0x0  }
0x12: {  	s1 =	sld [smem:$0x3F99];
	s0 =	simm.s32 @p0 $0x1  }
0x13: {  	[smem:$0x3FB4] =	sst s0;
	s0 =	simm.s32 @!p1 $0x0  }
0x14: {  	s2 =	sld [smem:$0x3F98];
	s0 =	simm.s32 @p1 $0x1  }
0x15: {  	[smem:$0x3FB5] =	sst s0;
	s0 =	simm.s32 @!p2 $0x0  }
0x16: {  	s3 =	sld [smem:$0x3FDB];
	s0 =	simm.s32 @p2 $0x1  }
0x17: {  	s4 =	simm.s32 $0x1BF5;
	[smem:$0x3FB7] =	sst s0  }
0x18: {  	s0 =	sld [smem:$0x3F9A];
	_ =	swait.ge [sflag:s4], $0x0  }
0x19: {  	s7 =	sld [smem:$0x3F9B]  }
0x1a: {  	s8 =	sadd.s32 $0xFFFFE003, lr  }
0x1b: {  	s9 =	sadd.s32 $0xFFFFFEF7, lr;
	s5 =	simm.s32 $0xFFFFFFFF;
	p2 =	slt.u32 s8, $0xFFFFF086  }
0x1c: {  	p1 =	slt.u32 s9, $0xF7A;
	s5 =	simm.s32 @!p2 $0x0  }
0x1d: {  	s5 =	simm.s32 @p1 $0x1;
	p0 =	seq.s32 s7, s2  }
0x1e: {  	s7 =	smul.u32 @!p0 $0xF7A, s2;
	p2 =	seq.s32 @!p0 s5, $0x0  }
0x1f: {  	s9 =	smul.u32 $0xF7A, s1;
	s8 =	simm.s32 @!p0 $0x1BF5;
	p2 =	por !p2, p0  }
0x20: {  	[sflag:s8] =	ssyncset.s32 @!p0 $0xFFFFF086;
	s6 =	sadd.s32 @!p0 s3, s7;
	s7 =	simm.s32 @!p0 $0x108  }
0x21: {  	s3 =	sadd.s32 s3, s9;
	s6 =	sadd.s32 @!p0 $0x88, s6;
	s7 =	simm.s32 @p2 $0x1082  }
0x22: {  	[simem:s7], [sflag:s8] =	dma.local @!p0 [hbm:s6], $0xF7A  }
0x23: {  	s9 =	sor.u32 $0xD0000000, s2;
	s6 =	simm.s32 $0x108;
	_ =	swait.ge @!p0 [sflag:s8], $0x0  }
0x24: {  	s3 =	sadd.s32 $0x88, s3;
	s6 =	simm.s32 @!p1 $0x1082;
	[sflag:s4] =	ssyncset.s32 $0xFFFFF086  }
0x25: {  	[simem:s6], [sflag:s4] =	dma.local [hbm:s3], $0xF7A  }
0x26: {  	[smem:$0x3F9B] =	sst s1;
	(tag) =	ssettag s2;
	_ =	strace s9  }
0x27: {  	s1 =	sld [smem:$0x3FAB]  }
0x28: {  	s2 =	sld [smem:$0x3FAC]  }
0x29: {  	s4 =	sld [smem:$0x3FAE]  }
0x2a: {  	p0 =	seq.s32 s5, $0x0;
	s5 =	sld [smem:$0x3FAF]  }
0x2b: {  	s6 =	sld [smem:$0x3FB0]  }
0x2c: {  	s7 =	sld [smem:$0x3FB1]  }
0x2d: {  	s3 =	simm.s32 $0x108;
	s8 =	sld [smem:$0x3FB2]  }
0x2e: {  	s3 =	simm.s32 @!p0 $0x1082;
	s9 =	sld [smem:$0x3FB3]  }
0x2f: {  	lr =	sadd.s32 s0, s3;
	s0 =	sld [smem:$0x3FAA]  }
0x30: {  	s3 =	sld [smem:$0x3FAD]  }
0x31: {  	[smem:$0x3FB6] =	sst s10  }
0x32: {  	s10 =	sld [smem:$0x3FB4];
	_ =	sdelay $0x3  }
0x33: {  	p0 =	seq.s32 s10, $0x1;
	s10 =	sld [smem:$0x3FB6];
	_ =	sdelay $0x3  }
0x34: {  	[smem:$0x3FB6] =	sst s10  }
0x35: {  	s10 =	sld [smem:$0x3FB5];
	_ =	sdelay $0x3  }
0x36: {  	p1 =	seq.s32 s10, $0x1;
	s10 =	sld [smem:$0x3FB6];
	_ =	sdelay $0x3  }
0x37: {  	[smem:$0x3FB6] =	sst s10  }
0x38: {  	s10 =	sld [smem:$0x3FB7]  }
0x39: {  	_ = 	snop;
	(pc) =	sbr.ind lr, $3  }
0x3a: {  	_ = 	snop  }
0x3b: {  	_ = 	snop  }
0x3c: {  	p2 =	seq.s32 s10, $0x1;
	s10 =	sld [smem:$0x3FB6]  }
0x3d: {  	_ =	shalt  }
0x3e: {  	_ =	shalt  }
0x3f: {  	_ =	shalt  }
0x40: {  	_ =	shalt  }
0x41: {  	_ =	shalt  }
0x42: {  	_ =	shalt  }
0x43: {  	_ =	shalt  }
0x44: {  	_ =	shalt  }
0x45: {  	_ =	shalt  }
0x46: {  	_ =	shalt  }
0x47: {  	_ =	shalt  }
0x48: {  	_ =	shalt  }
0x49: {  	_ =	shalt  }
0x4a: {  	_ =	shalt  }
0x4b: {  	_ =	shalt  }
0x4c: {  	_ =	shalt  }
0x4d: {  	_ =	shalt  }
0x4e: {  	_ =	shalt  }
0x4f: {  	_ =	shalt  }
0x50: {  	_ =	shalt  }
0x51: {  	_ =	shalt  }
0x52: {  	_ =	shalt  }
0x53: {  	_ =	shalt  }
0x54: {  	_ =	shalt  }
0x55: {  	_ =	shalt  }
0x56: {  	_ =	shalt  }
0x57: {  	_ =	shalt  }
0x58: {  	_ =	shalt  }
0x59: {  	_ =	shalt  }
0x5a: {  	_ =	shalt  }
0x5b: {  	_ =	shalt  }
0x5c: {  	_ =	shalt  }
0x5d: {  	_ =	shalt  }
0x5e: {  	_ =	shalt  }
0x5f: {  	_ =	shalt  }
0x60: {  	_ =	shalt  }
0x61: {  	_ =	shalt  }
0x62: {  	_ =	shalt  }
0x63: {  	_ =	shalt  }
0x64: {  	_ =	shalt  }
0x65: {  	_ =	shalt  }
0x66: {  	_ =	shalt  }
0x67: {  	_ =	shalt  }
0x68: {  	_ =	shalt  }
0x69: {  	_ =	shalt  }
0x6a: {  	_ =	shalt  }
0x6b: {  	_ =	shalt  }
0x6c: {  	_ =	shalt  }
0x6d: {  	_ =	shalt  }
0x6e: {  	_ =	shalt  }
0x6f: {  	_ =	shalt  }
0x70: {  	_ =	shalt  }
0x71: {  	_ =	shalt  }
0x72: {  	_ =	shalt  }
0x73: {  	_ =	shalt  }
0x74: {  	_ =	shalt  }
0x75: {  	_ =	shalt  }
0x76: {  	_ =	shalt  }
0x77: {  	_ =	shalt  }
0x78: {  	_ =	shalt  }
0x79: {  	_ =	shalt  }
0x7a: {  	_ =	shalt  }
0x7b: {  	_ =	shalt  }
0x7c: {  	_ =	shalt  }
0x7d: {  	_ =	shalt  }
0x7e: {  	_ =	shalt  }
0x7f: {  	_ =	shalt  }
0x80: {  	_ =	shalt  }
0x81: {  	_ =	shalt  }
0x82: {  	_ =	shalt  }
0x83: {  	_ =	shalt  }
0x84: {  	_ =	shalt  }
0x85: {  	_ =	shalt  }
0x86: {  	_ =	shalt  }
0x87: {  	_ =	shalt  }
.Lfunc_end0:
.L_simem_size_0:
called_computation.4_lowered:
.L_overlay_start_0:
0x88: {  	s2 =	sld [smem:$0x3FD9]  }
0x89: {  	s3 =	sld [smem:$0x3FFE];
	_ =	sdelay $0x1  }
0x8a: {  	s1 =	srdreg.scid  }
0x8b: {  	s0 =	sand.u32 $0x1, s1  }
0x8c: {  	s14 =	sshll.u32 s0, $0xA;
	s2 =	sadd.s32 s3, s2  }
0x8d: {  	s2 =	sadd.s32 s2, s14  }
0x8e: {  	[smem:$0x3FC2] =	sst s2  }
0x8f: {  	_ = 	snop  }
0x90: {  	s2 =	sld [smem:$0x3FD0];
	_ =	sdelay $0x2  }
0x91: {  	s15 =	simm.s32 $0xB;
	s4 =	simm.s32 $0x10  }
0x92: {  	[smem:s4], [sflag:s15] =	dma.local [hbm:s2], $0x1  }
0x93: {  	_ =	swait.eq [sflag:s15], $0x1  }
0x94: {  	[sflag:s15] =	ssyncset.done $0x0  }
0x95: {  	[sflag:s15] =	ssyncadd.s32 $0xFFFFFFFF  }
0x96: {  	s16 =	sld [smem:$0x10];
	(tm) =	ssettm $0x1  }
0x97: {  	s17 =	sld [smem:$0x3FFB];
	_ =	sdelay $0x3  }
0x98: {  	_ =	strace s17  }
0x99: {  	s3 =	sld [smem:$0x3FFC];
	_ =	sdelay $0x3  }
0x9a: {  	_ =	strace s3  }
0x9b: {  	s3 =	sld [smem:$0x3FFD];
	_ =	sdelay $0x3  }
0x9c: {  	_ =	strace s3  }
0x9d: {  	_ =	strace $0x8FFFFFFF  }
0x9e: {  	s18 =	sld [smem:$0x3FDB];
	_ =	sdelay $0x1  }
0x9f: {  	s19 =	simm.s32 $_scs_section_size  }
0xa0: {  	s5 =	simm.s32 $_size__tile_overlayer_lowered;
	s6 =	simm.s32 $_tile_overlayer_lowered  }
0xa1: {  	s22 =	simm.s32 $0x1BFF;
	s21 =	sshll.u32 s6, $0x1;
	s3 =	sadd.s32 s19, s18  }
0xa2: {  	s7 =	simm.s32 $0x0;
	s20 =	sshll.u32 s5, $0x1;
	s5 =	sadd.s32 s21, s3  }
0xa3: {  	[timem:s7], [sflag:s22] =	dma.local [hbm:s5], s20  }
0xa4: {  	_ =	swait.ge [sflag:s22], s20  }
0xa5: {  	s4 =	ssub.s32 $0x0, s20;
	[sflag:s22] =	ssyncset.done $0x0  }
0xa6: {  	[sflag:s22] =	ssyncadd.s32 s4;
	_ =	sdelay $0x1  }
0xa7: {  	s23 =	simm.s32 $0x1B8B  }
0xa8: {  	_ =	swait.ge [sflag:s23], $0x1  }
0xa9: {  	[sflag:s23] =	ssyncset.done $0x0  }
0xaa: {  	s25 =	simm.s32 $0x1B8E;
	s24 =	sld [smem:$0x3FFE];
	[sflag:s23] =	ssyncadd.s32 $0xFFFFFFFF  }
0xab: {  	s26 =	simm.s32 $execute0_lowered;
	[smem:$0x3FD2] =	sst s25  }
0xac: {  	s5 =	sshll.u32 s26, $0x1;
	_ =	strace $0x80000052;
	[dreg:$0x1] =	wrdreg $0xFFFFFFFF  }
0xad: {  	s28 =	simm.s32 $_size_execute0_lowered;
	s3 =	sadd.s32 s3, s5;
	[dreg:$0x0] =	wrdreg $0x0  }
0xae: {  	s5 =	sshll.u32 s28, $0x1;
	[dreg:$0x2] =	wrdreg s3  }
0xaf: {  	[dreg:$0x3] =	wrdreg s5  }
0xb0: {  	[dreg:$0x4] =	wrdreg $0xC0  }
0xb1: {  	_ =	task [dreg:s7], $0x5FFFF  }
0xb2: {  	[dreg:$0x1] =	wrdreg $0xFFFFFFFF  }
0xb3: {  	[dreg:$0x0] =	wrdreg $0x60  }
0xb4: {  	[dreg:$0x2] =	wrdreg s24  }
0xb5: {  	[dreg:$0x3] =	wrdreg s16  }
0xb6: {  	[dreg:$0x4] =	wrdreg $0x9  }
0xb7: {  	_ =	task.clear_ibuf [dreg:s7], $0x5FFFF;
	_ =	strace $0x90000052  }
0xb8: {  	s29 =	simm.s32 $0x9;
	_ =	strace $0x80000054  }
0xb9: {  	_ =	swait.ge [sflag:s29], $0x1  }
0xba: {  	[sflag:s29] =	ssyncadd.s32 $0xFFFFFFFF  }
0xbb: {  	_ =	strace $0x90000054  }
0xbc: {  	_ =	sfence  }
0xbd: {  	s30 =	sld [smem:$0x0];
	_ =	sdelay $0x2  }
0xbe: {  	s31 =	sshll.u32 s1, $0xD;
	s1 =	sshrl.u32 s1, $0x2  }
0xbf: {  	s3 =	sand.u32 $0x4000, s31;
	s1 =	sadd.s32 s1, s30  }
0xc0: {  	s0 =	sor.u32 s3, s0;
	s1 =	sshll.u32 s1, $0x11  }
0xc1: {  	s0 =	sor.u32 s1, s0  }
0xc2: {  	s0 =	sadd.s32 $0x8F2B, s0  }
0xc3: {  	[sflag:s0] =	ssyncadd.remote.s32 $0x1  }
0xc4: {  	_ =	sfence.sel $0xFFFF  }
0xc5: {  	[dreg:$0x0] =	wrdreg $0xFFFFFFFF;
	(pc) =	sbr.abs _section_cstart, $3  }
0xc6: {  	[dreg:$0x1] =	wrdreg $0xFFFFFFFF  }
0xc7: {  	_ =	task.clear_ibuf [dreg:s7], $0x2FFFF;
	_ =	strace $0x9FFFFFFF  }
0xc8: {  	(tm) =	ssettm $0x7FFFFFFF  }
0xc9: {  	_ =	shalt  }
tec
execute0_lowered:
.L_overlay_start_1:
0x0: {  	(tag) =	ssettag $0x1  }
0x1: {  	s1 =	rddreg [dreg:$0x0]  }
0x2: {  	s2 =	rddreg [dreg:$0x1]  }
0x3: {  	s0 =	rddreg [dreg:$0x2];
	s3 =	simm.s32 $0x0  }
0x4: {  	s4 =	srdreg.scid;
	s10 =	simm.s32 $0x400;
	s11 =	simm.s32 $0x1  }
0x5: {  	s12 =	simm.s32 $0x1C800;
	s13 =	simm.s32 $0x1D000;
	s14 =	simm.s32 $0x1D800  }
0x6: {  	s15 =	simm.s32 $0x0;
	[smem:$0x7FF] =	sst s3;
	s7 =	sand.u32 $0x1, s4  }
0x7: {  	s5 =	sadd.s32 $0xC40000, s1;
	s6 =	sadd.s32 $0xC80000, s1;
	s8 =	ssub.s32 $0x2, s7  }
0x8: {  	s4 =	stileid.u32;
	_ =	strace $0x80000053;
	s9 =	sshrl.u32 s8, $0x1  }
0x9: {  	v0 =	vimm.s32 $0x0;
	v1 =	vlaneseq.u32;
	s31 =	sshll.u32 s4, $0x6;
	s7 =	sshll.u32 s7, $0x5;
	s8 =	ssub.s32 s8, s9  }
0xa: {  	v3 =	vimm.s32 $0x1;
	v4 =	vimm.f32 $+Inf;
	v2 =	vmul.u32 $0x400, v1;
	s7 =	sor.u32 s7, s31;
	s9 =	simm.s32 $0x80;
	s8 =	smax.u32 s8, $0x1  }
.LBB2_1:
0xb: {  	s16 =	simm.s32 $0x0  }
.LBB2_2:
0xc: {  	s17 =	sadd.s32 s7, s16  }
0xd: {  	s17 =	sshrl.u32 s17, $0x3  }
0xe: {  	s18 =	sshll.u32 s16, $0x7;
	s19 =	smul.u32 $0xC4000, s17  }
0xf: {  	s18 =	sand.u32 $0x380, s18  }
0x10: {  	s19 =	sor.u32 s18, s19  }
0x11: {  	s19 =	sshrl.u32 s19, $0x3  }
0x12: {  	s20 =	sadd.s32 s1, s19;
	s19 =	simm.s32 $0x0  }
0x13: {  	[tilespmem:s19], [sflag:$0x1] =	stream.strided.gather [hbm4b:s20+s9], $0x18800, s10, s9, $0x38;
	[tilespmem:$0x1D880] =	vst v63  }
0x14: {  	_ =	swait.ge [sflag:s11], $0x18800  }
0x15: {  	[sflag:s11] =	ssyncset.done $0x0  }
0x16: {  	s21 =	simm.s32 $0x0;
	s20 =	simm.s32 $0x40;
	[sflag:s11] =	ssyncadd.s32 $0xFFFE7800  }
.LBB2_3:
0x17: {  	p0 =	sne.s32 s20, $0xFFC0;
	[tilespmem:s21+$0x18800] =	vst v0;
	s21 =	smov.u32 s20;
	s20 =	sadd.s32 $0x40, s20  }
.Ltmp0:
0x18: {  	(pc) =	sbr.rel @p0 .LBB2_3-.Ltmp0, $2  }
0x19: {  	_ =	sdelay $0x2  }
0x1a: {  	s21 =	sshra.s32 s21, $0x2  }
0x1b: {  	[tilespmem:s21+$0x18800] =	vst v0  }
.LBB2_5:
0x1c: {  	s20 =	sshra.s32 s19, $0x2  }
0x1d: {  	v5 =	vld [tilespmem:s20+$0x0];
	_ =	sdelay $0x4  }
0x1e: {  	v5 =	vmax.f32 v5, $-2.999999920e-05  }
0x1f: {  	v5 =	vmin.f32 v5, $3.098484870e-02  }
0x20: {  	v5 =	vadd.f32 $2.999999920e-05, v5;
	_ =	sdelay $0x1  }
0x21: {  	v5 =	vmul.f32 $3.300032420e+04, v5;
	_ =	sdelay $0x1  }
0x22: {  	v5 =	vtrunc.f32 v5  }
0x23: {  	v5 =	vcvt.f32.s32 v5;
	_ =	sdelay $0x1  }
0x24: {  	p0 =	sne.s32 s19, $0x61F00;
	v5 =	vadd.s32 v2, v5  }
.Ltmp1:
0x25: {  	_ = 	snop;
	(pc) =	sbr.rel @p0 .LBB2_5-.Ltmp1, $3  }
0x26: {  	_ =	sdelay $0x1  }
0x27: {  	s20 =	simm.s32 $0x18800  }
0x28: {  	s19 =	sadd.s32 $0x100, s19;
	[tilespmem:v5+s20+$0x0] =	vst.idx.add.s32.msk $0xffff, v3  }
0x29: {  	s19 =	simm.s32 $0x0  }
0x2a: {  	v5 =	vld [tilespmem:s20+$0x0];
	s19 =	sand.u32 $0x3F0, s19  }
0x2b: {  	v6 =	vld [tilespmem:s19+$0x18C00]  }
0x2c: {  	v7 =	vld [tilespmem:s19+$0x19000]  }
0x2d: {  	v8 =	vld [tilespmem:s19+$0x19400]  }
0x2e: {  	v9 =	vld [tilespmem:s19+$0x19800]  }
0x2f: {  	v10 =	vld [tilespmem:s19+$0x19C00]  }
0x30: {  	v5 =	vadd.s32 v5, v6;
	v6 =	vld [tilespmem:s19+$0x1A000]  }
0x31: {  	v5 =	vadd.s32 v7, v5;
	v7 =	vld [tilespmem:s19+$0x1A400]  }
0x32: {  	v5 =	vadd.s32 v8, v5;
	v8 =	vld [tilespmem:s19+$0x1A800]  }
0x33: {  	v5 =	vadd.s32 v9, v5;
	v9 =	vld [tilespmem:s19+$0x1AC00]  }
0x34: {  	v5 =	vadd.s32 v10, v5;
	v10 =	vld [tilespmem:s19+$0x1B000]  }
0x35: {  	v5 =	vadd.s32 v6, v5;
	v6 =	vld [tilespmem:s19+$0x1B400]  }
0x36: {  	v5 =	vadd.s32 v7, v5;
	v7 =	vld [tilespmem:s19+$0x1B800]  }
0x37: {  	v5 =	vadd.s32 v8, v5;
	v8 =	vld [tilespmem:s19+$0x1BC00]  }
0x38: {  	v5 =	vadd.s32 v9, v5;
	v9 =	vld [tilespmem:s19+$0x1C000]  }
0x39: {  	s29 =	simm.s32 $0x10;
	s30 =	simm.s32 $0x18810;
	v5 =	vadd.s32 v10, v5;
	v10 =	vld [tilespmem:s19+$0x1C400]  }
0x3a: {  	v11 =	vld [tilespmem:s30+$0x0];
	s31 =	sand.u32 $0x3F0, s29;
	v5 =	vadd.s32 v6, v5  }
0x3b: {  	v6 =	vld [tilespmem:s31+$0x18C00];
	v5 =	vadd.s32 v7, v5  }
0x3c: {  	v7 =	vld [tilespmem:s31+$0x19000];
	v5 =	vadd.s32 v8, v5  }
0x3d: {  	v8 =	vld [tilespmem:s31+$0x19400];
	v5 =	vadd.s32 v9, v5  }
0x3e: {  	v9 =	vld [tilespmem:s31+$0x19800];
	v5 =	vadd.s32 v10, v5  }
0x3f: {  	v10 =	vld [tilespmem:s31+$0x19C00];
	(xrf0) =	vadd.scan.msk.s32 $0xffff, v5  }
0x40: {  	v5 =	vadd.s32 v11, v6;
	v6 =	vld [tilespmem:s31+$0x1A000]  }
0x41: {  	v5 =	vadd.s32 v7, v5;
	v7 =	vld [tilespmem:s31+$0x1A400]  }
0x42: {  	v11 =	vld [tilespmem:s31+$0x1A800];
	v5 =	vadd.s32 v8, v5  }
0x43: {  	v12 =	vld [tilespmem:s31+$0x1AC00];
	v5 =	vadd.s32 v9, v5  }
0x44: {  	v13 =	vld [tilespmem:s31+$0x1B000];
	v8 =	vadd.s32 v10, v5  }
0x45: {  	v14 =	vld [tilespmem:s31+$0x1B400];
	v5 =	vimm.s32 $0x0;
	v8 =	vadd.s32 v6, v8;
	v6, _, _ =	vpop (xrf0)  }
0x46: {  	v7 =	vadd.s32 v7, v8;
	v8 =	vld [tilespmem:s31+$0x1B800];
	v10 =	vadd.s32 v5, v6  }
0x47: {  	v9 =	vld [tilespmem:s31+$0x1BC00];
	v7 =	vadd.s32 v11, v7;
	vm0 =	vgt.s32 v10, $0xDB  }
0x48: {  	v7 =	vadd.s32 v12, v7;
	v10 =	vld [tilespmem:s31+$0x1C000];
	v15 =	vmpcnt.ones.xlane vm0  }
0x49: {  	s21 =	simm.s32 $0x20;
	s20 =	simm.s32 $0x18820;
	v11 =	vld [tilespmem:s31+$0x1C400];
	v7 =	vadd.s32 v13, v7  }
0x4a: {  	s19 =	sand.u32 $0x3F0, s21;
	s21 =	simm.s32 $0x30;
	v12 =	vld [tilespmem:s20+$0x0];
	v13 =	vadd.s32 v14, v7;
	v7 =	vadd.s32 v5, v15  }
.LBB2_7:
0x4b: {  	p0 =	seq.s32 s21, $0x3F0;
	v14 =	vld [tilespmem:s19+$0x18C00];
	v8 =	vadd.s32 v8, v13  }
0x4c: {  	v13 =	vld [tilespmem:s19+$0x19000];
	v8 =	vadd.s32 v9, v8  }
0x4d: {  	v9 =	vld [tilespmem:s19+$0x19400];
	v8 =	vadd.s32 v10, v8  }
0x4e: {  	v10 =	vld [tilespmem:s19+$0x19800];
	v8 =	vadd.s32 v11, v8  }
0x4f: {  	v11 =	vld [tilespmem:s19+$0x19C00];
	(xrf0) =	vadd.scan.msk.s32 $0xffff, v8  }
0x50: {  	v8 =	vadd.s32 v12, v14;
	v12 =	vld [tilespmem:s19+$0x1A000]  }
0x51: {  	v8 =	vadd.s32 v13, v8;
	v13 =	vld [tilespmem:s19+$0x1A400]  }
0x52: {  	v8 =	vadd.s32 v9, v8;
	v9 =	vld [tilespmem:s19+$0x1A800]  }
0x53: {  	v14 =	vbroadcast v6, $0xF;
	v8 =	vadd.s32 v10, v8;
	v10 =	vld [tilespmem:s19+$0x1AC00]  }
0x54: {  	v16 =	vadd.s32 v11, v8;
	v11 =	vld [tilespmem:s19+$0x1B000]  }
0x55: {  	v5 =	vadd.s32 v5, v14;
	v8 =	vadd.s32 v12, v16;
	v15 =	vld [tilespmem:s19+$0x1B400];
	v6, _, _ =	vpop (xrf0)  }
.Ltmp2:
0x56: {  	v12 =	vadd.s32 v13, v8;
	v8 =	vld [tilespmem:s19+$0x1B800];
	v13 =	vadd.s32 v5, v6;
	(pc) =	sbr.rel @!p0 .LBB2_7-.Ltmp2, $4  }
0x57: {  	v12 =	vadd.s32 v9, v12;
	v9 =	vld [tilespmem:s19+$0x1BC00];
	vm0 =	vgt.s32 v13, $0xDB  }
0x58: {  	v12 =	vadd.s32 v10, v12;
	v10 =	vld [tilespmem:s19+$0x1C000];
	v14 =	vmpcnt.ones.xlane vm0  }
0x59: {  	s20 =	sadd.s32 $0x10, s20;
	v13 =	vadd.s32 v11, v12;
	v11 =	vld [tilespmem:s19+$0x1C400]  }
0x5a: {  	s19 =	sand.u32 $0x3F0, s21;
	s21 =	sadd.s32 $0x10, s21;
	v12 =	vld [tilespmem:s20+$0x0];
	v13 =	vadd.s32 v15, v13;
	v7 =	vadd.s32 v7, v14  }
0x5b: {  	v14 =	vld [tilespmem:s19+$0x18C00]  }
0x5c: {  	v15 =	vld [tilespmem:s19+$0x19000]  }
0x5d: {  	v16 =	vld [tilespmem:s19+$0x19400]  }
0x5e: {  	v17 =	vld [tilespmem:s19+$0x19800]  }
0x5f: {  	v18 =	vld [tilespmem:s19+$0x19C00]  }
0x60: {  	v49 =	vld [tilespmem:s19+$0x1A000];
	v12 =	vadd.s32 v12, v14  }
0x61: {  	v50 =	vld [tilespmem:s19+$0x1A400];
	v12 =	vadd.s32 v15, v12  }
0x62: {  	v51 =	vld [tilespmem:s19+$0x1A800];
	v12 =	vadd.s32 v16, v12  }
0x63: {  	v52 =	vld [tilespmem:s19+$0x1AC00];
	v12 =	vadd.s32 v17, v12  }
0x64: {  	v53 =	vld [tilespmem:s19+$0x1B000];
	v12 =	vadd.s32 v18, v12  }
0x65: {  	v54 =	vld [tilespmem:s19+$0x1B400];
	v12 =	vadd.s32 v49, v12  }
0x66: {  	v55 =	vld [tilespmem:s19+$0x1B800];
	v12 =	vadd.s32 v50, v12  }
0x67: {  	v56 =	vld [tilespmem:s19+$0x1BC00];
	v12 =	vadd.s32 v51, v12  }
0x68: {  	v8 =	vadd.s32 v8, v13;
	v57 =	vld [tilespmem:s19+$0x1C000];
	v12 =	vadd.s32 v52, v12  }
0x69: {  	v59 =	vld [tilespmem:s19+$0x1C400];
	v8 =	vadd.s32 v9, v8;
	v58 =	vadd.s32 v53, v12  }
0x6a: {  	v8 =	vadd.s32 v10, v8;
	v9 =	vadd.s32 v54, v58  }
0x6b: {  	v8 =	vadd.s32 v11, v8;
	v9 =	vadd.s32 v55, v9  }
0x6c: {  	(xrf0) =	vadd.scan.msk.s32 $0xffff, v8;
	v60 =	vadd.s32 v56, v9  }
0x6d: {  	v8 =	vadd.s32 v57, v60  }
0x6e: {  	v8 =	vadd.s32 v59, v8  }
0x6f: {  	(xrf0) =	vadd.scan.msk.s32 $0xffff, v8;
	_ =	sdelay $0x2  }
0x70: {  	v6 =	vbroadcast v6, $0xF;
	v61, _, _ =	vpop (xrf0)  }
0x71: {  	v62 =	vbroadcast v61, $0xF  }
0x72: {  	v5 =	vadd.s32 v5, v6  }
0x73: {  	v6 =	vadd.s32 v5, v61;
	v5 =	vadd.s32 v5, v62;
	v63, _, _ =	vpop (xrf0)  }
0x74: {  	vm0 =	vgt.s32 v6, $0xDB;
	v5 =	vadd.s32 v5, v63  }
0x75: {  	v6 =	vmpcnt.ones.xlane vm0;
	vm15 =	vgt.s32 v5, $0xDB  }
0x76: {  	v5 =	vmpcnt.ones.xlane vm15  }
0x77: {  	v6 =	vadd.s32 v7, v6  }
0x78: {  	s19 =	simm.s32 $0x40;
	s20 =	simm.s32 $0x0;
	v5 =	vadd.s32 v6, v5  }
.LBB2_9:
0x79: {  	p0 =	seq.s32 s19, $0x1FC0;
	[tilespmem:s20+$0x1C800] =	vst v4;
	s20 =	smov.u32 s19;
	s19 =	sadd.s32 $0x40, s19  }
.Ltmp3:
0x7a: {  	(pc) =	sbr.rel @!p0 .LBB2_9-.Ltmp3, $2  }
0x7b: {  	_ =	sdelay $0x2  }
0x7c: {  	s20 =	sshra.s32 s20, $0x2  }
0x7d: {  	v5 =	vxor.u32 $0x80000000, v5  }
0x7e: {  	(xrf0) =	vmax.scan.msk.u32 $0xffff, v5;
	_ =	sdelay $0x5  }
0x7f: {  	v5, _, _ =	vpop (xrf0)  }
0x80: {  	(v2sf) =	vpush v5, $0xF;
	_ =	sdelay $0xe  }
0x81: {  	s19 =	spop (v2sf)  }
0x82: {  	s19 =	sxor.u32 $0x80000000, s19  }
0x83: {  	s19 =	ssub.s32 $0x400, s19  }
0x84: {  	s19 =	scvt.s32.f32 s19;
	_ =	sdelay $0x1  }
0x85: {  	s19 =	sadd.f32 $2.000000000e+00, s19;
	_ =	sdelay $0x1  }
0x86: {  	s19 =	smul.f32 $3.030273360e-05, s19;
	_ =	sdelay $0x1  }
0x87: {  	s19 =	sadd.f32 $-2.999999920e-05, s19;
	_ =	sdelay $0x1  }
0x88: {  	[tilespmem:s20+$0x1C800] =	vst v4;
	v6 =	vmov s19;
	s19 =	simm.s32 $0x0  }
0x89: {  	v7 =	vld [tilespmem:s19+$0x0]  }
0x8a: {  	s20 =	simm.s32 $0x10;
	v8 =	vimm.s32 $0x0;
	s21 =	simm.s32 $0x0;
	v5 =	vimm.s32 $0x0  }
.LBB2_11:
0x8b: {  	p0 =	sne.s32 s20, $0x187F0;
	_ =	sdelay $0x2  }
0x8c: {  	vm0 =	vle.f32 v7, v6  }
0x8d: {  	v9 =	vsel vm0, $0x1, v0;
	v10 =	vmpcnt.ones.xlane vm0  }
0x8e: {  	(xrf0) =	vadd.scan.msk.s32 $0xffff, v9  }
0x8f: {  	v5 =	vadd.s32 v5, v10;
	_ =	sdelay $0x4  }
0x90: {  	v9, _, _ =	vpop (xrf0)  }
0x91: {  	v9 =	vadd.s32 v9, v8;
	v8 =	vmov v5  }
0x92: {  	v9 =	vadd.s32 $0xFFFFFFFF, v9  }
0x93: {  	vm1 =	vlt.s32 v9, $0x800  }
0x94: {  	vm0 =	vmand vm0, vm1;
	_ =	sdelay $0x4  }
.Ltmp4:
0x95: {  	(pc) =	sbr.rel @p0 .LBB2_11-.Ltmp4, $4  }
0x96: {  	[tilespmem:v9+s12+$0x0] =	vst.idx.msk vm0, v7;
	v7 =	vor.u32 s19, v1;
	s19 =	smov.u32 s20  }
0x97: {  	s21 =	sadd.s32 $0x10, s21;
	[tilespmem:v9+s13+$0x0] =	vst.idx.msk vm0, v7  }
0x98: {  	v7 =	vld [tilespmem:s21+$0x0]  }
0x99: {  	s20 =	sadd.s32 $0x10, s20  }
0x9a: {  	_ =	sdelay $0x2  }
0x9b: {  	vm0 =	vle.f32 v7, v6  }
0x9c: {  	v6 =	vsel vm0, $0x1, v0  }
0x9d: {  	(xrf0) =	vadd.scan.msk.s32 $0xffff, v6;
	_ =	sdelay $0x5  }
0x9e: {  	v6, _, _ =	vpop (xrf0)  }
0x9f: {  	v6 =	vadd.s32 v6, v8  }
0xa0: {  	v6 =	vadd.s32 $0xFFFFFFFF, v6  }
0xa1: {  	vm1 =	vlt.s32 v6, $0x800  }
0xa2: {  	vm1 =	vmand vm0, vm1;
	_ =	sdelay $0x4  }
0xa3: {  	s20 =	sshll.u32 s17, $0xE;
	v63 =	vmpcnt.ones.xlane vm0  }
0xa4: {  	s29 =	sor.u32 s18, s20;
	[tilespmem:v6+s12+$0x0] =	vst.idx.msk vm1, v7;
	v7 =	vor.u32 s19, v1  }
0xa5: {  	v5 =	vadd.s32 v5, v63;
	s19 =	sshrl.u32 s29, $0x3;
	[tilespmem:v6+s13+$0x0] =	vst.idx.msk vm1, v7  }
0xa6: {  	s30 =	sadd.s32 s5, s19;
	[tilespmem:$0x1D800] =	vst v5  }
0xa7: {  	[hbm4b:s30+s9] =	stream.strided.scatter [tilespmem:s12], [sflag:$0x1], $0x800, s10, s9, $0x38;
	[tilespmem:$0x1D880] =	vst v63  }
0xa8: {  	_ =	swait.ge [sflag:s11], $0x800  }
0xa9: {  	[sflag:s11] =	ssyncset.done $0x0  }
0xaa: {  	s31 =	sshll.u32 s17, $0xA;
	s19 =	sadd.s32 s6, s19;
	[sflag:s11] =	ssyncadd.s32 $0xFFFFF800  }
0xab: {  	[hbm4b:s19+s9] =	stream.strided.scatter [tilespmem:s13], [sflag:$0x1], $0x800, s10, s9, $0x38;
	[tilespmem:$0x1D880] =	vst v63  }
0xac: {  	s16 =	sadd.s32 $0x1, s16;
	s17 =	sor.u32 s18, s31;
	_ =	swait.ge [sflag:s11], $0x800  }
0xad: {  	p0 =	sne.s32 s16, $0x20;
	s17 =	sshrl.u32 s17, $0x3;
	[sflag:s11] =	ssyncset.done $0x0  }
.Ltmp5:
0xae: {  	s17 =	sadd.s32 s2, s17;
	[sflag:s11] =	ssyncadd.s32 $0xFFFFF800;
	(pc) =	sbr.rel @p0 .LBB2_2-.Ltmp5, $4  }
0xaf: {  	[hbm4b:s17+s3] =	stream.linear.scatter [tilespmem:s14], [sflag:$0x1], $0x80, $0x38;
	[tilespmem:$0x1D880] =	vst v63  }
0xb0: {  	_ =	swait.ge [sflag:s11], $0x80  }
0xb1: {  	[sflag:s11] =	ssyncset.done $0x0  }
0xb2: {  	[sflag:s11] =	ssyncadd.s32 $0xFFFFFF80  }
0xb3: {  	s15 =	sadd.s32 $0x1, s15  }
0xb4: {  	p0 =	sne.s32 s15, s8  }
.Ltmp6:
0xb5: {  	_ = 	snop;
	(pc) =	sbr.rel @p0 .LBB2_1-.Ltmp6, $1  }
0xb6: {  	_ =	sdelay $0x3  }
0xb7: {  	_ =	sfence.sel $0x180000  }
0xb8: {  	[bflag:$0x0] =	sbarrier.arrive $0xFFFF  }
0xb9: {  	p0 =	sne.s32 s4, $0x0;
	_ =	strace $0x90000053  }
0xba: {  	s0 =	sadd.s32 @!p0 $0x100000, s0;
	[bflag:$0x2] =	sbarrier.arrive $0xFFFF  }
0xbb: {  	[sflag:s0] =	ssyncadd.tile.s32 @!p0 $0x1;
	_ =	shalt  }
.Lfunc_end2:
_tile_overlayer_lowered:
.L_overlay_start_2:
0xbc: {  	(tag) =	ssettag $0x2  }
0xbd: {  	s0 =	rddreg [dreg:$0x0];
	s2 =	stileid.u32  }
0xbe: {  	s1 =	rddreg [dreg:$0x1];
	p0 =	sne.s32 s2, $0x0  }
0xbf: {  	s3 =	rddreg [dreg:$0x2];
	[bflag:$0x3] =	sbarrier.arrive $0xFFFF;
	s2 =	simm.s32 @!p0 $0x1C01  }
0xc0: {  	[timem:s3], [sflag:s2] =	dma.local @!p0 [hbm:s0], s1  }
0xc1: {  	s0 =	simm.s32 @!p0 $0x1  }
0xc2: {  	_ =	swait.ge @!p0 [sflag:s0], s1  }
0xc3: {  	s1 =	ssub.s32 @!p0 $0x0, s1;
	[sflag:s0] =	ssyncset.done @!p0 $0x0  }
0xc4: {  	[sflag:s0] =	ssyncadd.s32 @!p0 s1  }
0xc5: {  	[bflag:$0x3] =	sbarrier.arrive $0xFFFF  }
0xc6: {  	_ =	shalt  }

// kernel: kernel.9.cloned.1.call-start
scs
__scs_entry_jumppad:
0x0: {  	(pc) =	sbr.rel $0x88, $3  }
0x1: {  	(tag) =	ssettag $0x0;
	lr =	simm.s32 $0x1  }
0x2: {  	[smem:$0x3F9B] =	sst lr;
	_ =	strace $0xD0000000  }
0x3: {  	_ = 	snop  }
0x4: {  	_ = 	snop  }
0x5: {  	_ = 	snop  }
0x6: {  	_ = 	snop  }
0x7: {  	_ = 	snop  }
__scs_overlays_trampoline_lowered:
0x8: {  	[smem:$0x3FAA] =	sst s0  }
0x9: {  	[smem:$0x3FAB] =	sst s1  }
0xa: {  	[smem:$0x3FAC] =	sst s2  }
0xb: {  	[smem:$0x3FAD] =	sst s3  }
0xc: {  	[smem:$0x3FAE] =	sst s4  }
0xd: {  	[smem:$0x3FAF] =	sst s5  }
0xe: {  	[smem:$0x3FB0] =	sst s6  }
0xf: {  	[smem:$0x3FB1] =	sst s7  }
0x10: {  	[smem:$0x3FB2] =	sst s8  }
0x11: {  	[smem:$0x3FB3] =	sst s9;
	s0 =	simm.s32 @!p0 $0x0  }
0x12: {  	s1 =	sld [smem:$0x3F99];
	s0 =	simm.s32 @p0 $0x1  }
0x13: {  	[smem:$0x3FB4] =	sst s0;
	s0 =	simm.s32 @!p1 $0x0  }
0x14: {  	s2 =	sld [smem:$0x3F98];
	s0 =	simm.s32 @p1 $0x1  }
0x15: {  	[smem:$0x3FB5] =	sst s0;
	s0 =	simm.s32 @!p2 $0x0  }
0x16: {  	s3 =	sld [smem:$0x3FDB];
	s0 =	simm.s32 @p2 $0x1  }
0x17: {  	s4 =	simm.s32 $0x1BF5;
	[smem:$0x3FB7] =	sst s0  }
0x18: {  	s0 =	sld [smem:$0x3F9A];
	_ =	swait.ge [sflag:s4], $0x0  }
0x19: {  	s7 =	sld [smem:$0x3F9B]  }
0x1a: {  	s8 =	sadd.s32 $0xFFFFE003, lr  }
0x1b: {  	s9 =	sadd.s32 $0xFFFFFEF7, lr;
	s5 =	simm.s32 $0xFFFFFFFF;
	p2 =	slt.u32 s8, $0xFFFFF086  }
0x1c: {  	p1 =	slt.u32 s9, $0xF7A;
	s5 =	simm.s32 @!p2 $0x0  }
0x1d: {  	s5 =	simm.s32 @p1 $0x1;
	p0 =	seq.s32 s7, s2  }
0x1e: {  	s7 =	smul.u32 @!p0 $0xF7A, s2;
	p2 =	seq.s32 @!p0 s5, $0x0  }
0x1f: {  	s9 =	smul.u32 $0xF7A, s1;
	s8 =	simm.s32 @!p0 $0x1BF5;
	p2 =	por !p2, p0  }
0x20: {  	[sflag:s8] =	ssyncset.s32 @!p0 $0xFFFFF086;
	s6 =	sadd.s32 @!p0 s3, s7;
	s7 =	simm.s32 @!p0 $0x108  }
0x21: {  	s3 =	sadd.s32 s3, s9;
	s6 =	sadd.s32 @!p0 $0x88, s6;
	s7 =	simm.s32 @p2 $0x1082  }
0x22: {  	[simem:s7], [sflag:s8] =	dma.local @!p0 [hbm:s6], $0xF7A  }
0x23: {  	s9 =	sor.u32 $0xD0000000, s2;
	s6 =	simm.s32 $0x108;
	_ =	swait.ge @!p0 [sflag:s8], $0x0  }
0x24: {  	s3 =	sadd.s32 $0x88, s3;
	s6 =	simm.s32 @!p1 $0x1082;
	[sflag:s4] =	ssyncset.s32 $0xFFFFF086  }
0x25: {  	[simem:s6], [sflag:s4] =	dma.local [hbm:s3], $0xF7A  }
0x26: {  	[smem:$0x3F9B] =	sst s1;
	(tag) =	ssettag s2;
	_ =	strace s9  }
0x27: {  	s1 =	sld [smem:$0x3FAB]  }
0x28: {  	s2 =	sld [smem:$0x3FAC]  }
0x29: {  	s4 =	sld [smem:$0x3FAE]  }
0x2a: {  	p0 =	seq.s32 s5, $0x0;
	s5 =	sld [smem:$0x3FAF]  }
0x2b: {  	s6 =	sld [smem:$0x3FB0]  }
0x2c: {  	s7 =	sld [smem:$0x3FB1]  }
0x2d: {  	s3 =	simm.s32 $0x108;
	s8 =	sld [smem:$0x3FB2]  }
0x2e: {  	s3 =	simm.s32 @!p0 $0x1082;
	s9 =	sld [smem:$0x3FB3]  }
0x2f: {  	lr =	sadd.s32 s0, s3;
	s0 =	sld [smem:$0x3FAA]  }
0x30: {  	s3 =	sld [smem:$0x3FAD]  }
0x31: {  	[smem:$0x3FB6] =	sst s10  }
0x32: {  	s10 =	sld [smem:$0x3FB4];
	_ =	sdelay $0x3  }
0x33: {  	p0 =	seq.s32 s10, $0x1;
	s10 =	sld [smem:$0x3FB6];
	_ =	sdelay $0x3  }
0x34: {  	[smem:$0x3FB6] =	sst s10  }
0x35: {  	s10 =	sld [smem:$0x3FB5];
	_ =	sdelay $0x3  }
0x36: {  	p1 =	seq.s32 s10, $0x1;
	s10 =	sld [smem:$0x3FB6];
	_ =	sdelay $0x3  }
0x37: {  	[smem:$0x3FB6] =	sst s10  }
0x38: {  	s10 =	sld [smem:$0x3FB7]  }
0x39: {  	_ = 	snop;
	(pc) =	sbr.ind lr, $3  }
0x3a: {  	_ = 	snop  }
0x3b: {  	_ = 	snop  }
0x3c: {  	p2 =	seq.s32 s10, $0x1;
	s10 =	sld [smem:$0x3FB6]  }
0x3d: {  	_ =	shalt  }
0x3e: {  	_ =	shalt  }
0x3f: {  	_ =	shalt  }
0x40: {  	_ =	shalt  }
0x41: {  	_ =	shalt  }
0x42: {  	_ =	shalt  }
0x43: {  	_ =	shalt  }
0x44: {  	_ =	shalt  }
0x45: {  	_ =	shalt  }
0x46: {  	_ =	shalt  }
0x47: {  	_ =	shalt  }
0x48: {  	_ =	shalt  }
0x49: {  	_ =	shalt  }
0x4a: {  	_ =	shalt  }
0x4b: {  	_ =	shalt  }
0x4c: {  	_ =	shalt  }
0x4d: {  	_ =	shalt  }
0x4e: {  	_ =	shalt  }
0x4f: {  	_ =	shalt  }
0x50: {  	_ =	shalt  }
0x51: {  	_ =	shalt  }
0x52: {  	_ =	shalt  }
0x53: {  	_ =	shalt  }
0x54: {  	_ =	shalt  }
0x55: {  	_ =	shalt  }
0x56: {  	_ =	shalt  }
0x57: {  	_ =	shalt  }
0x58: {  	_ =	shalt  }
0x59: {  	_ =	shalt  }
0x5a: {  	_ =	shalt  }
0x5b: {  	_ =	shalt  }
0x5c: {  	_ =	shalt  }
0x5d: {  	_ =	shalt  }
0x5e: {  	_ =	shalt  }
0x5f: {  	_ =	shalt  }
0x60: {  	_ =	shalt  }
0x61: {  	_ =	shalt  }
0x62: {  	_ =	shalt  }
0x63: {  	_ =	shalt  }
0x64: {  	_ =	shalt  }
0x65: {  	_ =	shalt  }
0x66: {  	_ =	shalt  }
0x67: {  	_ =	shalt  }
0x68: {  	_ =	shalt  }
0x69: {  	_ =	shalt  }
0x6a: {  	_ =	shalt  }
0x6b: {  	_ =	shalt  }
0x6c: {  	_ =	shalt  }
0x6d: {  	_ =	shalt  }
0x6e: {  	_ =	shalt  }
0x6f: {  	_ =	shalt  }
0x70: {  	_ =	shalt  }
0x71: {  	_ =	shalt  }
0x72: {  	_ =	shalt  }
0x73: {  	_ =	shalt  }
0x74: {  	_ =	shalt  }
0x75: {  	_ =	shalt  }
0x76: {  	_ =	shalt  }
0x77: {  	_ =	shalt  }
0x78: {  	_ =	shalt  }
0x79: {  	_ =	shalt  }
0x7a: {  	_ =	shalt  }
0x7b: {  	_ =	shalt  }
0x7c: {  	_ =	shalt  }
0x7d: {  	_ =	shalt  }
0x7e: {  	_ =	shalt  }
0x7f: {  	_ =	shalt  }
0x80: {  	_ =	shalt  }
0x81: {  	_ =	shalt  }
0x82: {  	_ =	shalt  }
0x83: {  	_ =	shalt  }
0x84: {  	_ =	shalt  }
0x85: {  	_ =	shalt  }
0x86: {  	_ =	shalt  }
0x87: {  	_ =	shalt  }
.Lfunc_end0:
.L_simem_size_0:
called_computation.5_lowered:
.L_overlay_start_0:
0x88: {  	s2 =	sld [smem:$0x3FD9]  }
0x89: {  	s3 =	sld [smem:$0x3FFE];
	_ =	sdelay $0x1  }
0x8a: {  	s1 =	srdreg.scid  }
0x8b: {  	s0 =	sand.u32 $0x1, s1  }
0x8c: {  	s14 =	sshll.u32 s0, $0xA;
	s2 =	sadd.s32 s3, s2  }
0x8d: {  	s2 =	sadd.s32 s2, s14  }
0x8e: {  	[smem:$0x3FC2] =	sst s2  }
0x8f: {  	_ = 	snop  }
0x90: {  	s2 =	sld [smem:$0x3FD0];
	_ =	sdelay $0x2  }
0x91: {  	s15 =	simm.s32 $0xB;
	s4 =	simm.s32 $0x10  }
0x92: {  	[smem:s4], [sflag:s15] =	dma.local [hbm:s2], $0x1  }
0x93: {  	_ =	swait.eq [sflag:s15], $0x1  }
0x94: {  	[sflag:s15] =	ssyncset.done $0x0  }
0x95: {  	s16 =	sld [smem:$0x10];
	[sflag:s15] =	ssyncadd.s32 $0xFFFFFFFF  }
0x96: {  	s17 =	sld [smem:$0x13];
	(tm) =	ssettm $0x1  }
0x97: {  	s18 =	sld [smem:$0x3FFB];
	_ =	sdelay $0x3  }
0x98: {  	_ =	strace s18  }
0x99: {  	s4 =	sld [smem:$0x3FFC];
	_ =	sdelay $0x3  }
0x9a: {  	_ =	strace s4  }
0x9b: {  	s4 =	sld [smem:$0x3FFD];
	_ =	sdelay $0x3  }
0x9c: {  	_ =	strace s4  }
0x9d: {  	_ =	strace $0x8FFFFFFF  }
0x9e: {  	s19 =	sld [smem:$0x3FDB];
	_ =	sdelay $0x1  }
0x9f: {  	s5 =	simm.s32 $_scs_section_size  }
0xa0: {  	s6 =	simm.s32 $_size__tile_overlayer_lowered;
	s7 =	simm.s32 $_tile_overlayer_lowered  }
0xa1: {  	s22 =	simm.s32 $0x1BFF;
	s21 =	sshll.u32 s7, $0x1;
	s4 =	sadd.s32 s5, s19  }
0xa2: {  	s8 =	simm.s32 $0x0;
	s20 =	sshll.u32 s6, $0x1;
	s6 =	sadd.s32 s21, s4  }
0xa3: {  	[timem:s8], [sflag:s22] =	dma.local [hbm:s6], s20  }
0xa4: {  	_ =	swait.ge [sflag:s22], s20  }
0xa5: {  	s5 =	ssub.s32 $0x0, s20;
	[sflag:s22] =	ssyncset.done $0x0  }
0xa6: {  	[sflag:s22] =	ssyncadd.s32 s5;
	_ =	sdelay $0x1  }
0xa7: {  	s23 =	simm.s32 $0x1B8B  }
0xa8: {  	_ =	swait.ge [sflag:s23], $0x1  }
0xa9: {  	[sflag:s23] =	ssyncset.done $0x0  }
0xaa: {  	s25 =	simm.s32 $0x1B8E;
	s24 =	sld [smem:$0x3FFE];
	[sflag:s23] =	ssyncadd.s32 $0xFFFFFFFF  }
0xab: {  	s26 =	simm.s32 $execute0_lowered;
	[smem:$0x3FD2] =	sst s25  }
0xac: {  	s6 =	sshll.u32 s26, $0x1;
	_ =	strace $0x80000055;
	[dreg:$0x1] =	wrdreg $0xFFFFFFFF  }
0xad: {  	s28 =	simm.s32 $_size_execute0_lowered;
	s4 =	sadd.s32 s4, s6;
	[dreg:$0x0] =	wrdreg $0x0  }
0xae: {  	s6 =	sshll.u32 s28, $0x1;
	[dreg:$0x2] =	wrdreg s4  }
0xaf: {  	[dreg:$0x3] =	wrdreg s6  }
0xb0: {  	[dreg:$0x4] =	wrdreg $0xC0  }
0xb1: {  	_ =	task [dreg:s8], $0x5FFFF  }
0xb2: {  	[dreg:$0x1] =	wrdreg $0xFFFFFFFF  }
0xb3: {  	[dreg:$0x0] =	wrdreg $0x60  }
0xb4: {  	[dreg:$0x2] =	wrdreg s17  }
0xb5: {  	[dreg:$0x3] =	wrdreg s16  }
0xb6: {  	[dreg:$0x4] =	wrdreg s24  }
0xb7: {  	[dreg:$0x5] =	wrdreg $0x9  }
0xb8: {  	_ =	task.clear_ibuf [dreg:s8], $0x6FFFF;
	_ =	strace $0x90000055  }
0xb9: {  	s29 =	simm.s32 $0x9;
	_ =	strace $0x80000057  }
0xba: {  	_ =	swait.ge [sflag:s29], $0x1  }
0xbb: {  	[sflag:s29] =	ssyncadd.s32 $0xFFFFFFFF  }
0xbc: {  	_ =	strace $0x90000057  }
0xbd: {  	_ =	sfence  }
0xbe: {  	s30 =	sld [smem:$0x0];
	_ =	sdelay $0x2  }
0xbf: {  	s31 =	sshll.u32 s1, $0xD;
	s1 =	sshrl.u32 s1, $0x2  }
0xc0: {  	s3 =	sand.u32 $0x4000, s31;
	s1 =	sadd.s32 s1, s30  }
0xc1: {  	s0 =	sor.u32 s3, s0;
	s1 =	sshll.u32 s1, $0x11  }
0xc2: {  	s0 =	sor.u32 s1, s0  }
0xc3: {  	s0 =	sadd.s32 $0x8F2B, s0  }
0xc4: {  	[sflag:s0] =	ssyncadd.remote.s32 $0x1  }
0xc5: {  	_ =	sfence.sel $0xFFFF  }
0xc6: {  	[dreg:$0x0] =	wrdreg $0xFFFFFFFF;
	(pc) =	sbr.abs _section_cstart, $3  }
0xc7: {  	[dreg:$0x1] =	wrdreg $0xFFFFFFFF  }
0xc8: {  	_ =	task.clear_ibuf [dreg:s8], $0x2FFFF;
	_ =	strace $0x9FFFFFFF  }
0xc9: {  	(tm) =	ssettm $0x7FFFFFFF  }
tec
execute0_lowered:
.L_overlay_start_1:
0x0: {  	(tag) =	ssettag $0x1  }
0x1: {  	s1 =	rddreg [dreg:$0x0]  }
0x2: {  	s6 =	rddreg [dreg:$0x1]  }
0x3: {  	s5 =	rddreg [dreg:$0x2]  }
0x4: {  	s3 =	srdreg.scid;
	s0 =	rddreg [dreg:$0x3];
	s2 =	simm.s32 $0x0  }
0x5: {  	s7 =	sand.u32 $0x1, s3;
	[smem:$0x7FF] =	sst s2;
	s3 =	stileid.u32  }
0x6: {  	s4 =	ssub.s32 $0x2, s7;
	_ =	strace $0x80000056;
	s31 =	sshll.u32 s3, $0xF  }
0x7: {  	s9 =	sshll.u32 s7, $0xE;
	s10 =	sshll.u32 s3, $0x13;
	s7 =	sshll.u32 s7, $0x12  }
0x8: {  	s8 =	sshrl.u32 s4, $0x1;
	s5 =	sadd.s32 s10, s5;
	s10 =	simm.s32 $0x0  }
0x9: {  	s4 =	ssub.s32 s4, s8;
	s8 =	sor.u32 s9, s31;
	s5 =	sadd.s32 s7, s5  }
0xa: {  	s7 =	simm.s32 $0x2;
	s9 =	simm.s32 $0x1;
	s8 =	sshrl.u32 s8, $0x3  }
0xb: {  	s4 =	smax.u32 s4, $0x1;
	s6 =	sadd.s32 s8, s6;
	s8 =	simm.s32 $0x80  }
.LBB2_1:
0xc: {  	s11 =	sadd.s32 $0x0, s6  }
0xd: {  	[tilespmem:s2], [sflag:$0x2] =	stream.linear.gather [hbm4b:s11+s2], $0x80, $0x38;
	[tilespmem:$0x4080] =	vst v63  }
0xe: {  	_ =	swait.ge [sflag:s7], $0x80  }
0xf: {  	[sflag:s7] =	ssyncset.done $0x0  }
0x10: {  	[sflag:s7] =	ssyncadd.s32 $0xFFFFFF80  }
0x11: {  	[tilespmem:s8], [sflag:$0x1] =	stream.indirect.gather [hbm4b:s1+s8], $0x80, s2, s8, $0xb8;
	[tilespmem:$0x4080] =	vst v63  }
0x12: {  	_ =	swait.ge [sflag:s9], $0x4000  }
0x13: {  	[sflag:s9] =	ssyncset.done $0x0  }
0x14: {  	[sflag:s9] =	ssyncadd.s32 $0xFFFFC000  }
0x15: {  	[hbm4b:s5+s2] =	stream.linear.scatter [tilespmem:s8], [sflag:$0x2], $0x4000, $0x38;
	[tilespmem:$0x4080] =	vst v63  }
0x16: {  	s12 =	simm.s32 $0x10;
	_ =	swait.ge [sflag:s7], $0x4000  }
0x17: {  	s13 =	simm.s32 $0x20;
	s11 =	sadd.s32 $0x800, s5;
	[sflag:s7] =	ssyncset.done $0x0  }
.LBB2_2:
0x18: {  	s14 =	sadd.s32 s12, s6  }
0x19: {  	[sflag:s7] =	ssyncadd.s32 $0xFFFFC000;
	s12 =	smov.u32 s13;
	s15 =	sadd.s32 $0x10, s13  }
0x1a: {  	[tilespmem:s2], [sflag:$0x2] =	stream.linear.gather [hbm4b:s14+s2], $0x80, $0x38;
	[tilespmem:$0x4080] =	vst v63  }
0x1b: {  	p0 =	sne.s32 s13, $0x7F0;
	_ =	swait.ge [sflag:s7], $0x80  }
0x1c: {  	[sflag:s7] =	ssyncset.done $0x0  }
0x1d: {  	[sflag:s7] =	ssyncadd.s32 $0xFFFFFF80  }
0x1e: {  	[tilespmem:s8], [sflag:$0x1] =	stream.indirect.gather [hbm4b:s1+s8], $0x80, s2, s8, $0xb8;
	[tilespmem:$0x4080] =	vst v63  }
0x1f: {  	_ =	swait.ge [sflag:s9], $0x4000  }
.Ltmp0:
0x20: {  	[sflag:s9] =	ssyncset.done $0x0;
	(pc) =	sbr.rel @p0 .LBB2_2-.Ltmp0, $4  }
0x21: {  	[sflag:s9] =	ssyncadd.s32 $0xFFFFC000  }
0x22: {  	[hbm4b:s11+s2] =	stream.linear.scatter [tilespmem:s8], [sflag:$0x2], $0x4000, $0x38;
	[tilespmem:$0x4080] =	vst v63  }
0x23: {  	_ =	swait.ge [sflag:s7], $0x4000  }
0x24: {  	s13 =	smov.u32 s15;
	s11 =	sadd.s32 $0x800, s11;
	[sflag:s7] =	ssyncset.done $0x0  }
0x25: {  	s12 =	sadd.s32 s12, s6;
	[sflag:s7] =	ssyncadd.s32 $0xFFFFC000  }
0x26: {  	[tilespmem:s2], [sflag:$0x2] =	stream.linear.gather [hbm4b:s12+s2], $0x80, $0x38;
	[tilespmem:$0x4080] =	vst v63  }
0x27: {  	_ =	swait.ge [sflag:s7], $0x80  }
0x28: {  	[sflag:s7] =	ssyncset.done $0x0  }
0x29: {  	[sflag:s7] =	ssyncadd.s32 $0xFFFFFF80  }
0x2a: {  	[tilespmem:s8], [sflag:$0x1] =	stream.indirect.gather [hbm4b:s1+s8], $0x80, s2, s8, $0xb8;
	[tilespmem:$0x4080] =	vst v63  }
0x2b: {  	s10 =	sadd.s32 $0x1, s10;
	_ =	swait.ge [sflag:s9], $0x4000  }
0x2c: {  	p0 =	sne.s32 s10, s4;
	[sflag:s9] =	ssyncset.done $0x0  }
.Ltmp1:
0x2d: {  	[sflag:s9] =	ssyncadd.s32 $0xFFFFC000;
	(pc) =	sbr.rel @p0 .LBB2_1-.Ltmp1, $4  }
0x2e: {  	[hbm4b:s11+s2] =	stream.linear.scatter [tilespmem:s8], [sflag:$0x2], $0x4000, $0x38;
	[tilespmem:$0x4080] =	vst v63  }
0x2f: {  	_ =	swait.ge [sflag:s7], $0x4000  }
0x30: {  	[sflag:s7] =	ssyncset.done $0x0  }
0x31: {  	[sflag:s7] =	ssyncadd.s32 $0xFFFFC000  }
0x32: {  	_ =	sfence.sel $0x180000  }
0x33: {  	[bflag:$0x0] =	sbarrier.arrive $0xFFFF  }
0x34: {  	p0 =	sne.s32 s3, $0x0;
	_ =	strace $0x90000056  }
0x35: {  	s0 =	sadd.s32 @!p0 $0x100000, s0;
	[bflag:$0x2] =	sbarrier.arrive $0xFFFF  }
0x36: {  	[sflag:s0] =	ssyncadd.tile.s32 @!p0 $0x1;
	_ =	shalt  }
.Lfunc_end2:
_tile_overlayer_lowered:
.L_overlay_start_2:
0x37: {  	(tag) =	ssettag $0x2  }
0x38: {  	s0 =	rddreg [dreg:$0x0];
	s2 =	stileid.u32  }
0x39: {  	s1 =	rddreg [dreg:$0x1];
	p0 =	sne.s32 s2, $0x0  }
0x3a: {  	s3 =	rddreg [dreg:$0x2];
	[bflag:$0x3] =	sbarrier.arrive $0xFFFF;
	s2 =	simm.s32 @!p0 $0x1C02  }
0x3b: {  	[timem:s3], [sflag:s2] =	dma.local @!p0 [hbm:s0], s1  }
0x3c: {  	s0 =	simm.s32 @!p0 $0x2  }
0x3d: {  	_ =	swait.ge @!p0 [sflag:s0], s1  }
0x3e: {  	s1 =	ssub.s32 @!p0 $0x0, s1;
	[sflag:s0] =	ssyncset.done @!p0 $0x0  }
0x3f: {  	[sflag:s0] =	ssyncadd.s32 @!p0 s1  }
0x40: {  	[bflag:$0x3] =	sbarrier.arrive $0xFFFF  }
0x41: {  	_ =	shalt  }

// kernel: sparse-core-data-format-call.1.cloned.1.call-start
scs
called_computation.1_lowered:
.L_overlay_start_0:
0x0: {  	s2 =	sld [smem:$0x3FD9]  }
0x1: {  	s3 =	sld [smem:$0x3FFE];
	_ =	sdelay $0x1  }
0x2: {  	s1 =	srdreg.scid  }
0x3: {  	s0 =	sand.u32 $0x1, s1  }
0x4: {  	s18 =	sshll.u32 s0, $0xA;
	s2 =	sadd.s32 s3, s2  }
0x5: {  	s2 =	sadd.s32 s2, s18  }
0x6: {  	[smem:$0x3FC2] =	sst s2  }
0x7: {  	_ = 	snop  }
0x8: {  	(tm) =	ssettm $0x1  }
0x9: {  	s19 =	sld [smem:$0x3FFB];
	_ =	sdelay $0x3  }
0xa: {  	_ =	strace s19  }
0xb: {  	s2 =	sld [smem:$0x3FFC];
	_ =	sdelay $0x3  }
0xc: {  	_ =	strace s2  }
0xd: {  	s2 =	sld [smem:$0x3FFD];
	_ =	sdelay $0x3  }
0xe: {  	_ =	strace s2  }
0xf: {  	_ =	strace $0x8FFFFFFF  }
0x10: {  	s20 =	sld [smem:$0x3FDB];
	_ =	sdelay $0x1  }
0x11: {  	s21 =	simm.s32 $_scs_section_size  }
0x12: {  	s4 =	simm.s32 $_size__tile_overlayer_lowered;
	s5 =	simm.s32 $_tile_overlayer_lowered  }
0x13: {  	s6 =	simm.s32 $0x1BFF;
	s22 =	sshll.u32 s5, $0x1;
	s3 =	sadd.s32 s21, s20  }
0x14: {  	s23 =	simm.s32 $0x0;
	s4 =	sshll.u32 s4, $0x1;
	s5 =	sadd.s32 s22, s3  }
0x15: {  	[timem:s23], [sflag:s6] =	dma.local [hbm:s5], s4  }
0x16: {  	_ =	swait.ge [sflag:s6], s4  }
0x17: {  	s4 =	ssub.s32 $0x0, s4;
	[sflag:s6] =	ssyncset.done $0x0  }
0x18: {  	[sflag:s6] =	ssyncadd.s32 s4;
	_ =	sdelay $0x1  }
0x19: {  	s24 =	simm.s32 $0x1B8B  }
0x1a: {  	_ =	swait.ge [sflag:s24], $0x1  }
0x1b: {  	[sflag:s24] =	ssyncset.done $0x0  }
0x1c: {  	[sflag:s24] =	ssyncadd.s32 $0xFFFFFFFF  }
0x1d: {  	s4 =	sld [smem:$0x0]  }
0x1e: {  	s5 =	sand.u32 $0xFFFFFFFE, s1  }
0x1f: {  	p0 =	sne.s32 s1, s5  }
0x20: {  	s5 =	sshll.u32 @p0 s5, $0xE  }
0x21: {  	s5 =	sadd.s32 @p0 $0x11B8D, s5;
	s6 =	sshll.u32 @p0 s4, $0x11  }
0x22: {  	s5 =	sor.u32 @p0 s6, s5  }
0x23: {  	[sflag:s5] =	ssyncadd.remote.s32 @p0 $0x1;
	_ =	sdelay $0x1  }
0x24: {  	s5 =	simm.s32 @p0 $0x1B8D  }
0x25: {  	_ =	swait.eq @p0 [sflag:s5], $0x1  }
0x26: {  	[sflag:s5] =	ssyncadd.s32 @p0 $0xFFFFFFFF  }
0x27: {  	s6 =	sshll.u32 @!p0 s1, $0xE  }
0x28: {  	s6 =	sor.u32 @!p0 $0x4000, s6;
	s5 =	simm.s32 @!p0 $0x1B8D  }
0x29: {  	s4 =	sshll.u32 @!p0 s4, $0x11;
	s6 =	sadd.s32 @!p0 $0x11B8D, s6;
	_ =	swait.eq @!p0 [sflag:s5], $0x1  }
0x2a: {  	s4 =	sor.u32 @!p0 s4, s6;
	[sflag:s5] =	ssyncadd.s32 @!p0 $0xFFFFFFFF  }
0x2b: {  	s26 =	simm.s32 $0x1B8E;
	s25 =	sld [smem:$0x3FFE];
	[sflag:s4] =	ssyncadd.remote.s32 @!p0 $0x1  }
0x2c: {  	s27 =	simm.s32 $execute0_lowered;
	[smem:$0x3FD2] =	sst s26  }
0x2d: {  	s5 =	sshll.u32 s27, $0x1;
	_ =	strace $0x8000004C;
	[dreg:$0x1] =	wrdreg $0xFFFFFFFF  }
0x2e: {  	s28 =	simm.s32 $_size_execute0_lowered;
	s3 =	sadd.s32 s3, s5;
	[dreg:$0x0] =	wrdreg $0x0  }
0x2f: {  	s5 =	sshll.u32 s28, $0x1;
	[dreg:$0x2] =	wrdreg s3  }
0x30: {  	[dreg:$0x3] =	wrdreg s5  }
0x31: {  	[dreg:$0x4] =	wrdreg $0xC0  }
0x32: {  	_ =	task [dreg:s23], $0x5FFFF  }
0x33: {  	[dreg:$0x1] =	wrdreg $0xFFFFFFFF  }
0x34: {  	[dreg:$0x0] =	wrdreg $0x60  }
0x35: {  	[dreg:$0x2] =	wrdreg s25  }
0x36: {  	[dreg:$0x3] =	wrdreg $0xA  }
0x37: {  	_ =	task.clear_ibuf [dreg:s23], $0x4FFFF;
	_ =	strace $0x9000004C  }
0x38: {  	s29 =	simm.s32 $0xA;
	_ =	strace $0x8000004E  }
0x39: {  	_ =	swait.ge [sflag:s29], $0x1  }
0x3a: {  	[sflag:s29] =	ssyncadd.s32 $0xFFFFFFFF  }
0x3b: {  	_ =	strace $0x9000004E  }
0x3c: {  	_ =	sfence  }
0x3d: {  	s30 =	sld [smem:$0x0];
	_ =	sdelay $0x2  }
0x3e: {  	s31 =	sshll.u32 s1, $0xD;
	s1 =	sshrl.u32 s1, $0x2  }
0x3f: {  	s4 =	sand.u32 $0x4000, s31;
	s1 =	sadd.s32 s1, s30  }
0x40: {  	s0 =	sor.u32 s4, s0;
	s1 =	sshll.u32 s1, $0x11  }
0x41: {  	s0 =	sor.u32 s1, s0  }
0x42: {  	s0 =	sadd.s32 $0x8F2B, s0  }
0x43: {  	[sflag:s0] =	ssyncadd.remote.s32 $0x1  }
0x44: {  	_ =	sfence.sel $0xFFFF  }
0x45: {  	[dreg:$0x0] =	wrdreg $0xFFFFFFFF;
	(pc) =	sbr.abs _section_cstart, $3  }
0x46: {  	[dreg:$0x1] =	wrdreg $0xFFFFFFFF  }
0x47: {  	_ =	task.clear_ibuf [dreg:s23], $0x2FFFF;
	_ =	strace $0x9FFFFFFF  }
0x48: {  	(tm) =	ssettm $0x7FFFFFFF  }
0x49: {  	_ =	shalt  }
tec
execute0_lowered:
.L_overlay_start_1:
0x0: {  	(tag) =	ssettag $0x1  }
0x1: {  	s0 =	stileid.u32;
	s1 =	srdreg.scid  }
0x2: {  	s7 =	rddreg [dreg:$0x0];
	s31 =	simm.s32 $0x2;
	s14 =	simm.s32 $0x0  }
0x3: {  	s13 =	simm.s32 $0x0;
	s12 =	simm.s32 $0x0;
	s2 =	sshll.u32 s0, $0x7  }
0x4: {  	s3 =	sshll.u32 s0, $0x4;
	s1 =	sshll.u32 s1, $0x8;
	s2 =	sand.u32 $0x380, s2  }
0x5: {  	s3 =	sor.u32 s3, s1;
	s1 =	rddreg [dreg:$0x1];
	_ =	strace $0x8000004D  }
0x6: {  	s3 =	sand.u32 $0x180, s3;
	s4 =	ssub.s32 $0x400, s2;
	s11 =	smov.u32 s2  }
0x7: {  	s5 =	sand.u32 $0x380, s4;
	s6 =	ssub.s32 $0x10000, s3;
	s9 =	sshrl.u32 s4, $0xA  }
0x8: {  	p0 =	sne.s32 s5, $0x0;
	s5 =	simm.s32 $0x1;
	s8 =	sand.u32 $0x180, s6  }
0x9: {  	s5 =	simm.s32 @!p0 $0x0;
	p0 =	sne.s32 s8, $0x0;
	s8 =	simm.s32 $0x1  }
.Ltmp0:
0xa: {  	s6 =	sshrl.u32 s6, $0x9;
	s8 =	simm.s32 @!p0 $0x0;
	(pc) =	sbr.rel .LBB1_1-.Ltmp0, $4  }
0xb: {  	s4 =	simm.s32 $0x1;
	s5 =	sadd.s32 s5, s9;
	s6 =	sadd.s32 s8, s6  }
0xc: {  	s10 =	smov.u32 s3;
	[sflag:s4] =	ssyncpa.u1 $0x0;
	s5 =	smul.u32 s5, s6  }
0xd: {  	[sflag:s31] =	ssyncpa.u1 $0x0;
	p0 =	por $0x0, $0x0;
	s9 =	simm.s32 $0x2000  }
0xe: {  	s6 =	sadd.s32 $0x1CC0200, s7;
	s7 =	sadd.s32 $0x24C0200, s7;
	s8 =	sadd.s32 $0x1, s5  }
.LBB1_4:
0xf: {  	v5 =	vld [tilespmem:s18+$0xFFFFFFD0];
	[tilespmem:s17+$0x2040 ss:$0x81] =	vst.msk $0xffff, v1  }
0x10: {  	v58 =	vld [tilespmem:s18+$0xFFFFFFE0];
	[tilespmem:s17+$0x2850 ss:$0x81] =	vst.msk $0xffff, v2  }
0x11: {  	s19 =	sshra.s32 s19, $0x2;
	v59 =	vld [tilespmem:s18+$0xFFFFFFF0];
	[tilespmem:s17+$0x3060 ss:$0x81] =	vst.msk $0xffff, v3  }
0x12: {  	v60 =	vld [tilespmem:s18+$0x0];
	[tilespmem:s17+$0x0 ss:$0x81] =	vst.msk $0xffff, v0;
	s16 =	sadd.s32 s19, s16  }
0x13: {  	v61 =	vld [tilespmem:s18+$0x10];
	[tilespmem:s16+$0x3870 ss:$0x81] =	vst.msk $0xffff, v4  }
0x14: {  	v62 =	vld [tilespmem:s18+$0x20];
	s26 =	sshll.u32 s14, $0xA;
	s27 =	sshll.u32 s13, $0x3;
	[tilespmem:s16+$0x810 ss:$0x81] =	vst.msk $0xffff, v5  }
0x15: {  	v63 =	vld [tilespmem:s18+$0xFFFFFFC0];
	s29 =	sshll.u32 s14, $0x7;
	s17 =	sand.u32 $0x3FFE000, s26;
	s28 =	sand.u32 $0x3FFFC00, s27;
	[tilespmem:s16+$0x1020 ss:$0x81] =	vst.msk $0xffff, v58  }
0x16: {  	s30 =	sand.u32 $0x78, s13;
	s14 =	sand.u32 $0x380, s29;
	s17 =	sadd.s32 s28, s17;
	[tilespmem:s16+$0x1830 ss:$0x81] =	vst.msk $0xffff, v59  }
0x17: {  	s14 =	sor.u32 s30, s14;
	s17 =	sand.u32 $0x3FFFC00, s17;
	[tilespmem:s16+$0x2040 ss:$0x81] =	vst.msk $0xffff, v60  }
0x18: {  	s31 =	sand.u32 $0x7, s13;
	s14 =	sor.u32 s17, s14;
	[tilespmem:s16+$0x2850 ss:$0x81] =	vst.msk $0xffff, v61  }
0x19: {  	s13 =	sshll.u32 s31, $0x12;
	[tilespmem:s16+$0x3060 ss:$0x81] =	vst.msk $0xffff, v62;
	s14 =	sshrl.u32 s14, $0x3  }
0x1a: {  	s13 =	sor.u32 $0x400, s13;
	[tilespmem:s16+$0x0 ss:$0x81] =	vst.msk $0xffff, v63;
	s14 =	sadd.s32 s7, s14  }
0x1b: {  	[hbm4b:s14+s13] =	stream.strided.scatter [tilespmem:s15], [sflag:$0x2], $0x4000, s9, s13, $0x20;
	[tilespmem:$0x10100] =	vst v63  }
.LBB1_5:
0x1c: {  	s15 =	sadd.s32 $0x200, s10  }
0x1d: {  	s13 =	sadd.s32 $0x400, s11;
	s17 =	smov.u32 s11;
	p2 =	sgt.s32 s15, $0xFFFF  }
0x1e: {  	s17 =	smov.u32 @p2 s13  }
0x1f: {  	s15 =	smov.u32 @p2 s3;
	p2 =	sgt.s32 s17, $0x3FF  }
0x20: {  	s17 =	smov.u32 @p2 s2;
	p2 =	sne.s32 s12, s8  }
.Ltmp1:
0x21: {  	p1 =	slt.u32 s12, $0x2;
	(pc) =	sbr.rel @!p2 .LBB1_6-.Ltmp1, $4  }
0x22: {  	s16 =	simm.s32 @!p1 $0x2  }
0x23: {  	s14 =	smov.u32 s10;
	p0 =	por !p0, !p0;
	_ =	swait.ge @!p1 [sflag:s16], $0x4000  }
0x24: {  	s13 =	smov.u32 s11;
	[sflag:s16] =	ssyncset.done @!p1 $0x0;
	s10 =	smov.u32 s15  }
0x25: {  	s12 =	sadd.s32 $0x1, s12;
	[sflag:s16] =	ssyncadd.s32 @!p1 $0xFFFFC000;
	s11 =	smov.u32 s17  }
.LBB1_1:
0x26: {  	p1 =	sge.u32 s12, s5;
	s31 =	sadd.s32 $0xFFFFFFFF, s12  }
0x27: {  	s15 =	sand.u32 @!p1 $0x78, s10;
	s16 =	sshll.u32 @!p1 s11, $0x10;
	s17 =	sshll.u32 @!p1 s11, $0x7  }
0x28: {  	s18 =	sshll.u32 @!p1 s10, $0x3;
	s16 =	sand.u32 @!p1 $0x3F80000, s16;
	s17 =	sand.u32 @!p1 $0x380, s17  }
0x29: {  	s16 =	sadd.s32 @!p1 s16, s18;
	s18 =	sand.u32 @!p1 $0xFC00, s18;
	s15 =	sor.u32 @!p1 s17, s15  }
0x2a: {  	s17 =	sxor.u32 @!p1 $0xFFFFFFFF, s12;
	s16 =	sand.u32 @!p1 $0x3FF0000, s16;
	s15 =	sor.u32 @!p1 s18, s15  }
0x2b: {  	s17 =	sshll.u32 @!p1 s17, $0xE;
	s15 =	sor.u32 @!p1 s16, s15;
	s16 =	sand.u32 @!p1 $0x7, s10  }
0x2c: {  	s18 =	simm.s32 @!p1 $0x80000;
	s15 =	sshrl.u32 @!p1 s15, $0x3;
	s16 =	sshll.u32 @!p1 s16, $0x12  }
0x2d: {  	s17 =	sand.u32 @!p1 $0x4000, s17;
	s15 =	sadd.s32 @!p1 s6, s15;
	s16 =	sor.u32 @!p1 $0x400, s16  }
0x2e: {  	[tilespmem:s17], [sflag:$0x1] =	stream.strided.gather @!p1 [hbm4b:s15+s16], $0x4000, s18, s16, $0x38;
	[tilespmem:$0x10100] =	vst v63  }
0x2f: {  	p1 =	sge.u32 s31, s5  }
.Ltmp2:
0x30: {  	_ = 	snop;
	(pc) =	sbr.rel @p1 .LBB1_5-.Ltmp2, $1  }
0x31: {  	_ =	sdelay $0x3  }
0x32: {  	s15 =	simm.s32 $0x1  }
0x33: {  	_ =	swait.ge [sflag:s4], $0x4000;
	s15 =	simm.s32 @!p0 $0x0  }
0x34: {  	[sflag:s4] =	ssyncset.done $0x0;
	s16 =	sshll.u32 s15, $0xE  }
0x35: {  	[sflag:s4] =	ssyncadd.s32 $0xFFFFC000;
	s18 =	sor.u32 $0x40, s16  }
0x36: {  	s15 =	smul.u32 $0x10200, s15;
	v0 =	vld [tilespmem:s18+$0x30]  }
0x37: {  	v3 =	vld [tilespmem:s18+$0xFFFFFFD0]  }
0x38: {  	s15 =	sshrl.u32 s15, $0x2;
	v4 =	vld [tilespmem:s18+$0xFFFFFFE0]  }
0x39: {  	v5 =	vld [tilespmem:s18+$0xFFFFFFF0];
	s16 =	sor.u32 $0x8000, s15  }
0x3a: {  	s31 =	sand.u32 $0x1, s12;
	v1 =	vld [tilespmem:s18+$0x0];
	s17 =	sadd.s32 $0x0, s16  }
0x3b: {  	v2 =	vld [tilespmem:s18+$0x10];
	s15 =	smul.u32 $0x10200, s31;
	[tilespmem:s17+$0x3870 ss:$0x81] =	vst.msk $0xffff, v0  }
0x3c: {  	[tilespmem:s17+$0x810 ss:$0x81] =	vst.msk $0xffff, v3;
	v3 =	vld [tilespmem:s18+$0x20]  }
0x3d: {  	s15 =	sshrl.u32 s15, $0x2;
	v0 =	vld [tilespmem:s18+$0xFFFFFFC0];
	[tilespmem:s17+$0x1020 ss:$0x81] =	vst.msk $0xffff, v4;
	s18 =	sadd.s32 $0x80, s18  }
0x3e: {  	s19 =	simm.s32 $0x4;
	s20 =	simm.s32 $0x8;
	s15 =	sor.u32 $0x8000, s15;
	[tilespmem:s17+$0x1830 ss:$0x81] =	vst.msk $0xffff, v5;
	v4 =	vld [tilespmem:s18+$0x30]  }
.LBB1_3:
0x3f: {  	p1 =	sne.s32 s20, $0x1FC;
	v5 =	vld [tilespmem:s18+$0xFFFFFFD0];
	[tilespmem:s17+$0x2040 ss:$0x81] =	vst.msk $0xffff, v1  }
0x40: {  	v6 =	vld [tilespmem:s18+$0xFFFFFFE0];
	[tilespmem:s17+$0x2850 ss:$0x81] =	vst.msk $0xffff, v2  }
0x41: {  	s21 =	sshra.s32 s19, $0x2;
	s19 =	smov.u32 s20;
	v7 =	vld [tilespmem:s18+$0xFFFFFFF0];
	[tilespmem:s17+$0x3060 ss:$0x81] =	vst.msk $0xffff, v3  }
.Ltmp3:
0x42: {  	v1 =	vld [tilespmem:s18+$0x0];
	[tilespmem:s17+$0x0 ss:$0x81] =	vst.msk $0xffff, v0;
	s17 =	sadd.s32 s21, s16;
	(pc) =	sbr.rel @p1 .LBB1_3-.Ltmp3, $4  }
0x43: {  	v2 =	vld [tilespmem:s18+$0x10];
	[tilespmem:s17+$0x3870 ss:$0x81] =	vst.msk $0xffff, v4  }
0x44: {  	[tilespmem:s17+$0x810 ss:$0x81] =	vst.msk $0xffff, v5;
	v3 =	vld [tilespmem:s18+$0x20]  }
0x45: {  	v0 =	vld [tilespmem:s18+$0xFFFFFFC0];
	[tilespmem:s17+$0x1020 ss:$0x81] =	vst.msk $0xffff, v6;
	s18 =	sadd.s32 $0x80, s18  }
0x46: {  	s20 =	sadd.s32 $0x4, s20;
	v4 =	vld [tilespmem:s18+$0x30];
	[tilespmem:s17+$0x1830 ss:$0x81] =	vst.msk $0xffff, v7  }
.Ltmp4:
0x47: {  	_ = 	snop;
	(pc) =	sbr.rel .LBB1_4-.Ltmp4, $1  }
0x48: {  	_ =	sdelay $0x3  }
.LBB1_6:
0x49: {  	_ =	sfence.sel $0x180000  }
0x4a: {  	s2 =	simm.s32 $0x1;
	[bflag:$0x0] =	sbarrier.arrive $0xFFFF  }
0x4b: {  	s31 =	simm.s32 $0x2;
	[sflag:s2] =	ssyncpa.u1 $0x1  }
0x4c: {  	[sflag:s31] =	ssyncpa.u1 $0x1  }
0x4d: {  	p0 =	sne.s32 s0, $0x0;
	_ =	strace $0x9000004D  }
0x4e: {  	s0 =	sadd.s32 @!p0 $0x100000, s1;
	[bflag:$0x2] =	sbarrier.arrive $0xFFFF  }
0x4f: {  	[sflag:s0] =	ssyncadd.tile.s32 @!p0 $0x1;
	_ =	shalt  }
.Lfunc_end1:
_tile_overlayer_lowered:
.L_overlay_start_2:
0x50: {  	(tag) =	ssettag $0x2  }
0x51: {  	s0 =	rddreg [dreg:$0x0];
	s2 =	stileid.u32  }
0x52: {  	s1 =	rddreg [dreg:$0x1];
	p0 =	sne.s32 s2, $0x0  }
0x53: {  	s3 =	rddreg [dreg:$0x2];
	[bflag:$0x3] =	sbarrier.arrive $0xFFFF;
	s2 =	simm.s32 @!p0 $0x1C01  }
0x54: {  	[timem:s3], [sflag:s2] =	dma.local @!p0 [hbm:s0], s1  }
0x55: {  	s0 =	simm.s32 @!p0 $0x1  }
0x56: {  	_ =	swait.ge @!p0 [sflag:s0], s1  }
0x57: {  	s1 =	ssub.s32 @!p0 $0x0, s1;
	[sflag:s0] =	ssyncset.done @!p0 $0x0  }
0x58: {  	[sflag:s0] =	ssyncadd.s32 @!p0 s1  }
0x59: {  	[bflag:$0x3] =	sbarrier.arrive $0xFFFF  }
0x5a: {  	_ =	shalt  }

// kernel: sparse-core-data-format-call.2.cloned.1.call-start
scs
called_computation.2_lowered:
.L_overlay_start_0:
0x0: {  	s1 =	sld [smem:$0x3FD9]  }
0x1: {  	s2 =	sld [smem:$0x3FFE];
	_ =	sdelay $0x1  }
0x2: {  	s3 =	srdreg.scid  }
0x3: {  	s0 =	sand.u32 $0x1, s3  }
0x4: {  	s17 =	sshll.u32 s0, $0xA;
	s1 =	sadd.s32 s2, s1  }
0x5: {  	s1 =	sadd.s32 s1, s17  }
0x6: {  	[smem:$0x3FC2] =	sst s1  }
0x7: {  	_ = 	snop  }
0x8: {  	(tm) =	ssettm $0x1  }
0x9: {  	s18 =	sld [smem:$0x3FFB];
	_ =	sdelay $0x3  }
0xa: {  	_ =	strace s18  }
0xb: {  	s1 =	sld [smem:$0x3FFC];
	_ =	sdelay $0x3  }
0xc: {  	_ =	strace s1  }
0xd: {  	s1 =	sld [smem:$0x3FFD];
	_ =	sdelay $0x3  }
0xe: {  	_ =	strace s1  }
0xf: {  	_ =	strace $0x8FFFFFFF  }
0x10: {  	s19 =	sld [smem:$0x3FDB];
	_ =	sdelay $0x1  }
0x11: {  	s20 =	simm.s32 $_scs_section_size  }
0x12: {  	s4 =	simm.s32 $_size__tile_overlayer_lowered;
	s5 =	simm.s32 $_tile_overlayer_lowered  }
0x13: {  	s23 =	simm.s32 $0x1BFF;
	s22 =	sshll.u32 s5, $0x1;
	s1 =	sadd.s32 s20, s19  }
0x14: {  	s6 =	simm.s32 $0x0;
	s21 =	sshll.u32 s4, $0x1;
	s4 =	sadd.s32 s22, s1  }
0x15: {  	[timem:s6], [sflag:s23] =	dma.local [hbm:s4], s21  }
0x16: {  	_ =	swait.ge [sflag:s23], s21  }
0x17: {  	s2 =	ssub.s32 $0x0, s21;
	[sflag:s23] =	ssyncset.done $0x0  }
0x18: {  	[sflag:s23] =	ssyncadd.s32 s2;
	_ =	sdelay $0x1  }
0x19: {  	s24 =	simm.s32 $0x1B8B  }
0x1a: {  	_ =	swait.ge [sflag:s24], $0x1  }
0x1b: {  	[sflag:s24] =	ssyncset.done $0x0  }
0x1c: {  	s26 =	simm.s32 $0x1B8E;
	s25 =	sld [smem:$0x3FFE];
	[sflag:s24] =	ssyncadd.s32 $0xFFFFFFFF  }
0x1d: {  	s27 =	simm.s32 $execute0_lowered;
	[smem:$0x3FD2] =	sst s26  }
0x1e: {  	s4 =	sshll.u32 s27, $0x1;
	_ =	strace $0x80000046;
	[dreg:$0x1] =	wrdreg $0xFFFFFFFF  }
0x1f: {  	s28 =	simm.s32 $_size_execute0_lowered;
	s1 =	sadd.s32 s1, s4;
	[dreg:$0x0] =	wrdreg $0x0  }
0x20: {  	s4 =	sshll.u32 s28, $0x1;
	[dreg:$0x2] =	wrdreg s1  }
0x21: {  	[dreg:$0x3] =	wrdreg s4  }
0x22: {  	[dreg:$0x4] =	wrdreg $0xC0  }
0x23: {  	_ =	task [dreg:s6], $0x5FFFF  }
0x24: {  	[dreg:$0x1] =	wrdreg $0xFFFFFFFF  }
0x25: {  	[dreg:$0x0] =	wrdreg $0x60  }
0x26: {  	[dreg:$0x2] =	wrdreg s25  }
0x27: {  	[dreg:$0x3] =	wrdreg $0x9  }
0x28: {  	_ =	task.clear_ibuf [dreg:s6], $0x4FFFF;
	_ =	strace $0x90000046  }
0x29: {  	s29 =	simm.s32 $0x9;
	_ =	strace $0x80000048  }
0x2a: {  	_ =	swait.ge [sflag:s29], $0x1  }
0x2b: {  	[sflag:s29] =	ssyncadd.s32 $0xFFFFFFFF  }
0x2c: {  	_ =	strace $0x90000048  }
0x2d: {  	_ =	sfence  }
0x2e: {  	s30 =	sld [smem:$0x0];
	_ =	sdelay $0x2  }
0x2f: {  	s31 =	sshll.u32 s3, $0xD;
	s3 =	sshrl.u32 s3, $0x2  }
0x30: {  	s2 =	sand.u32 $0x4000, s31;
	s1 =	sadd.s32 s3, s30  }
0x31: {  	s0 =	sor.u32 s2, s0;
	s1 =	sshll.u32 s1, $0x11  }
0x32: {  	s0 =	sor.u32 s1, s0  }
0x33: {  	s0 =	sadd.s32 $0x8F2B, s0  }
0x34: {  	[sflag:s0] =	ssyncadd.remote.s32 $0x1  }
0x35: {  	_ =	sfence.sel $0xFFFF  }
0x36: {  	[dreg:$0x0] =	wrdreg $0xFFFFFFFF;
	(pc) =	sbr.abs _section_cstart, $3  }
0x37: {  	[dreg:$0x1] =	wrdreg $0xFFFFFFFF  }
0x38: {  	_ =	task.clear_ibuf [dreg:s6], $0x2FFFF;
	_ =	strace $0x9FFFFFFF  }
0x39: {  	(tm) =	ssettm $0x7FFFFFFF  }
tec
execute0_lowered:
.L_overlay_start_1:
0x0: {  	(tag) =	ssettag $0x1  }
0x1: {  	s0 =	srdreg.scid  }
0x2: {  	s1 =	sshll.u32 s0, $0x4  }
0x3: {  	s0 =	stileid.u32;
	s1 =	sand.u32 $0x10, s1  }
0x4: {  	s6 =	rddreg [dreg:$0x0];
	s4 =	simm.s32 $0x1;
	s1 =	sor.u32 s0, s1  }
0x5: {  	s7 =	simm.s32 $0x2;
	s15 =	simm.s32 $0x0;
	s2 =	sshll.u32 s1, $0x7  }
0x6: {  	s8 =	simm.s32 $0x100000;
	s14 =	simm.s32 $0x0;
	s3 =	ssub.s32 $0x20000, s2  }
0x7: {  	s9 =	simm.s32 $0x0;
	s10 =	simm.s32 $0x0;
	s31 =	sand.u32 $0xF80, s3  }
0x8: {  	s11 =	simm.s32 $0x0;
	s1 =	rddreg [dreg:$0x1];
	p0 =	sne.s32 s31, $0x0  }
.Ltmp0:
0x9: {  	s5 =	sshrl.u32 s3, $0xC;
	s4 =	simm.s32 @!p0 $0x0;
	(pc) =	sbr.rel .LBB1_1-.Ltmp0, $4  }
0xa: {  	_ =	strace $0x80000047;
	s3 =	simm.s32 $0x1;
	s4 =	sadd.s32 s4, s5  }
0xb: {  	s13 =	simm.s32 $0x0;
	[sflag:s3] =	ssyncpa.u1 $0x0;
	s4 =	smul.u32 $0x7, s4  }
0xc: {  	s12 =	smov.u32 s2;
	[sflag:s7] =	ssyncpa.u1 $0x0;
	p0 =	por $0x0, $0x0  }
0xd: {  	s5 =	sadd.s32 $0x1900200, s6;
	s6 =	sadd.s32 $0xCC0200, s6;
	s7 =	sadd.s32 $0x1, s4  }
.LBB1_4:
0xe: {  	s21 =	sshll.u32 s9, $0x11;
	s22 =	sshll.u32 s10, $0x3;
	s20 =	sshra.s32 s20, $0x2  }
0xf: {  	s28 =	sand.u32 $0x78, s10;
	s29 =	sshll.u32 s9, $0x7;
	p1 =	sgt.s32 s9, $0x290  }
0x10: {  	s25 =	sshra.s32 s9, $0x1F;
	s31 =	sshra.s32 s10, $0x1F;
	s21 =	sand.u32 $0xFFF00000, s21  }
0x11: {  	s23 =	sand.u32 $0xFFFFFC00, s22;
	s19 =	sadd.s32 s20, s19;
	s22 =	sand.u32 $0x1FC00, s22  }
0x12: {  	v5 =	vld [tilespmem:s17+$0xFFFFFFD0];
	[tilespmem:s18+$0x2040 ss:$0x81] =	vst.msk $0xffff, v4;
	s25 =	sand.u32 s25, s9;
	s27 =	sadd.s32 s23, s21;
	s23 =	sand.u32 $0x380, s29  }
0x13: {  	v58 =	vld [tilespmem:s17+$0xFFFFFFE0];
	[tilespmem:s18+$0x2850 ss:$0x81] =	vst.msk $0xffff, v3;
	s21 =	sor.u32 s28, s22;
	s22 =	smov.u32 s9;
	s20 =	sshrl.u32 s27, $0x11  }
0x14: {  	v59 =	vld [tilespmem:s17+$0xFFFFFFF0];
	[tilespmem:s18+$0x3060 ss:$0x81] =	vst.msk $0xffff, v2;
	s22 =	simm.s32 @!p1 $0x290;
	p1 =	sgt.s32 s10, $0x1FF80;
	s24 =	smul.u32 $0xA73, s20  }
0x15: {  	v60 =	vld [tilespmem:s17+$0x0];
	[tilespmem:s18+$0x0 ss:$0x81] =	vst.msk $0xffff, v1;
	s21 =	sor.u32 s23, s21;
	s30 =	ssub.s32 s22, s25;
	s22 =	smov.u32 s10  }
0x16: {  	v61 =	vld [tilespmem:s17+$0x10];
	[tilespmem:s19+$0x3870 ss:$0x81] =	vst.msk $0xffff, v0;
	s25 =	sand.u32 s31, s10;
	s22 =	simm.s32 @!p1 $0x1FF80;
	s24 =	sshrl.u32 s24, $0x15  }
0x17: {  	v62 =	vld [tilespmem:s17+$0x20];
	[tilespmem:s19+$0x810 ss:$0x81] =	vst.msk $0xffff, v5;
	s26 =	sadd.s32 $0xFFFFFD70, s30;
	s22 =	ssub.s32 s22, s25;
	s24 =	smul.u32 $0x310, s24  }
0x18: {  	v63 =	vld [tilespmem:s17+$0xFFFFFFC0];
	[tilespmem:s19+$0x1020 ss:$0x81] =	vst.msk $0xffff, v58;
	s18 =	ssub.s32 $0x310, s30;
	p1 =	sgt.s32 s26, $0x7F;
	s28 =	sadd.s32 $0xFFFE0080, s22  }
0x19: {  	[tilespmem:s19+$0x1830 ss:$0x81] =	vst.msk $0xffff, v59;
	p2 =	sgt.s32 s28, $0x7F;
	s27 =	ssub.s32 s20, s24;
	s20 =	ssub.s32 $0x20000, s22  }
0x1a: {  	s29 =	sshrl.u32 s21, $0x3;
	[tilespmem:s19+$0x2040 ss:$0x81] =	vst.msk $0xffff, v60;
	s18 =	simm.s32 @p1 $0x0;
	s20 =	simm.s32 @p2 $0x0  }
0x1b: {  	[tilespmem:s19+$0x2850 ss:$0x81] =	vst.msk $0xffff, v61;
	s30 =	sand.u32 $0x7, s10;
	s17 =	sand.u32 $0xFFFF, s27;
	s18 =	smul.u32 s20, s18  }
0x1c: {  	[tilespmem:s19+$0x3060 ss:$0x81] =	vst.msk $0xffff, v62;
	s21 =	sshll.u32 s30, $0x12;
	s17 =	sshll.u32 s17, $0xE;
	s20 =	sadd.s32 s6, s29  }
0x1d: {  	[tilespmem:s19+$0x0 ss:$0x81] =	vst.msk $0xffff, v63;
	s31 =	sor.u32 $0x400, s21;
	s17 =	sadd.s32 s17, s20;
	s18 =	sand.u32 $0x3FFFFFFF, s18  }
0x1e: {  	[hbm4b:s17+s31] =	stream.strided.scatter [tilespmem:s16], [sflag:$0x2], s18, s8, s31, $0x20;
	[tilespmem:$0x10100] =	vst v63  }
.LBB1_5:
0x1f: {  	p1 =	slt.u32 s13, $0x2  }
0x20: {  	s17 =	smov.u32 s15;
	p2 =	sgt.s32 @!p1 s15, $0x290;
	s16 =	sshra.s32 @!p1 s15, $0x1F  }
0x21: {  	p3 =	sgt.s32 @!p1 s14, $0x1FF80;
	s18 =	sshra.s32 @!p1 s14, $0x1F;
	p2 =	por !p2, p1  }
0x22: {  	s15 =	sand.u32 @!p1 s16, s15;
	p3 =	por !p3, p1;
	s16 =	smov.u32 s14  }
0x23: {  	s14 =	sand.u32 @!p1 s18, s14;
	s17 =	simm.s32 @p2 $0x290;
	s16 =	simm.s32 @p3 $0x1FF80  }
0x24: {  	s15 =	ssub.s32 @!p1 s17, s15;
	s14 =	ssub.s32 @!p1 s16, s14  }
0x25: {  	s18 =	smov.u32 s12;
	s16 =	sadd.s32 @!p1 $0xFFFFFD70, s15;
	s17 =	sadd.s32 @!p1 $0xFFFE0080, s14  }
0x26: {  	s15 =	ssub.s32 @!p1 $0x310, s15;
	p2 =	sgt.s32 @!p1 s16, $0x7F;
	p3 =	sgt.s32 @!p1 s17, $0x7F  }
0x27: {  	s14 =	ssub.s32 @!p1 $0x20000, s14;
	p2 =	por !p2, p1;
	p3 =	por !p3, p1  }
0x28: {  	s16 =	sadd.s32 $0x80, s11;
	s15 =	simm.s32 @!p2 $0x0;
	s14 =	simm.s32 @!p3 $0x0  }
0x29: {  	p2 =	sgt.s32 s16, $0x30F;
	s14 =	smul.u32 @!p1 s14, s15;
	s15 =	sadd.s32 $0x1000, s12  }
0x2a: {  	s18 =	smov.u32 @p2 s15  }
0x2b: {  	s16 =	simm.s32 @p2 $0x0;
	p2 =	sgt.s32 s18, $0x1FFFF  }
0x2c: {  	s18 =	smov.u32 @p2 s2;
	p2 =	sne.s32 s13, s7  }
.Ltmp1:
0x2d: {  	p0 =	por !p0, !p0;
	s17 =	simm.s32 @!p1 $0x2;
	(pc) =	sbr.rel @!p2 .LBB1_6-.Ltmp1, $4  }
0x2e: {  	s15 =	smov.u32 s9;
	s9 =	smov.u32 s11;
	s14 =	sand.u32 @!p1 $0x3FFFFFFF, s14  }
0x2f: {  	s11 =	smov.u32 s16;
	_ =	swait.ge @!p1 [sflag:s17], s14;
	s19 =	ssub.s32 @!p1 $0x0, s14  }
0x30: {  	s14 =	smov.u32 s10;
	s13 =	sadd.s32 $0x1, s13;
	[sflag:s17] =	ssyncset.done @!p1 $0x0  }
0x31: {  	s10 =	smov.u32 s12;
	s12 =	smov.u32 s18;
	[sflag:s17] =	ssyncadd.s32 @!p1 s19  }
.LBB1_1:
0x32: {  	p1 =	sge.u32 s13, s4  }
0x33: {  	s16 =	sshrl.u32 @!p1 s12, $0x3  }
0x34: {  	s17 =	sshll.u32 @!p1 s11, $0x3;
	s16 =	smul.u32 @!p1 $0x1C00, s16  }
0x35: {  	s18 =	sshll.u32 @!p1 s12, $0x7;
	s17 =	sand.u32 @!p1 $0xFFFFFC00, s17  }
0x36: {  	s16 =	sadd.s32 @!p1 s16, s17;
	s17 =	sand.u32 @!p1 $0x380, s18  }
0x37: {  	s16 =	sor.u32 @!p1 s17, s16  }
0x38: {  	s17 =	sshrl.u32 @!p1 s16, $0x7  }
0x39: {  	s17 =	smulhi.u32 @!p1 $0x24924925, s17;
	_ =	sdelay $0x1  }
0x3a: {  	s18 =	sand.u32 @!p1 $0x7F, s11;
	s19 =	smul.u32 @!p1 $0x380, s17  }
0x3b: {  	s31 =	sadd.s32 $0xFFFFFFFF, s13;
	s16 =	sor.u32 @!p1 s18, s16;
	s18 =	sxor.u32 @!p1 $0xFFFFFFFF, s13  }
0x3c: {  	s18 =	sshll.u32 @!p1 s18, $0xE;
	s17 =	sand.u32 @!p1 $0x1FFFF, s17;
	s16 =	ssub.s32 @!p1 s16, s19  }
0x3d: {  	s17 =	smul.u32 @!p1 $0x70, s17;
	s19 =	sshrl.u32 @!p1 s16, $0x3;
	s16 =	sand.u32 @!p1 $0x7, s16  }
0x3e: {  	s18 =	sand.u32 @!p1 $0x4000, s18;
	s19 =	sadd.s32 @!p1 s5, s19;
	s16 =	sshll.u32 @!p1 s16, $0x12  }
0x3f: {  	s17 =	sadd.s32 @!p1 s17, s19;
	s16 =	sor.u32 @!p1 $0x400, s16;
	s19 =	simm.s32 @!p1 $0x1C00  }
0x40: {  	[tilespmem:s18], [sflag:$0x1] =	stream.strided.gather @!p1 [hbm4b:s17+s16], $0x4000, s19, s16, $0x38;
	[tilespmem:$0x10100] =	vst v63  }
0x41: {  	p1 =	sge.u32 s31, s4  }
.Ltmp2:
0x42: {  	_ = 	snop;
	(pc) =	sbr.rel @p1 .LBB1_5-.Ltmp2, $1  }
0x43: {  	_ =	sdelay $0x3  }
0x44: {  	s16 =	simm.s32 $0x1  }
0x45: {  	_ =	swait.ge [sflag:s3], $0x4000;
	s16 =	simm.s32 @!p0 $0x0  }
0x46: {  	[sflag:s3] =	ssyncset.done $0x0;
	s17 =	sshll.u32 s16, $0xE  }
0x47: {  	[sflag:s3] =	ssyncadd.s32 $0xFFFFC000;
	s17 =	sor.u32 $0x40, s17  }
0x48: {  	s16 =	smul.u32 $0x10200, s16;
	v0 =	vld [tilespmem:s17+$0x30]  }
0x49: {  	v1 =	vld [tilespmem:s17+$0xFFFFFFD0]  }
0x4a: {  	s16 =	sshrl.u32 s16, $0x2;
	v5 =	vld [tilespmem:s17+$0xFFFFFFE0]  }
0x4b: {  	v6 =	vld [tilespmem:s17+$0xFFFFFFF0];
	s19 =	sor.u32 $0x8000, s16  }
0x4c: {  	s31 =	sand.u32 $0x1, s13;
	v4 =	vld [tilespmem:s17+$0x0];
	s18 =	sadd.s32 $0x0, s19  }
0x4d: {  	v3 =	vld [tilespmem:s17+$0x10];
	s16 =	smul.u32 $0x10200, s31;
	[tilespmem:s18+$0x3870 ss:$0x81] =	vst.msk $0xffff, v0  }
0x4e: {  	v2 =	vld [tilespmem:s17+$0x20];
	[tilespmem:s18+$0x810 ss:$0x81] =	vst.msk $0xffff, v1  }
0x4f: {  	s16 =	sshrl.u32 s16, $0x2;
	v1 =	vld [tilespmem:s17+$0xFFFFFFC0];
	[tilespmem:s18+$0x1020 ss:$0x81] =	vst.msk $0xffff, v5;
	s17 =	sadd.s32 $0x80, s17  }
0x50: {  	s20 =	simm.s32 $0x4;
	s21 =	simm.s32 $0x8;
	s16 =	sor.u32 $0x8000, s16;
	[tilespmem:s18+$0x1830 ss:$0x81] =	vst.msk $0xffff, v6;
	v0 =	vld [tilespmem:s17+$0x30]  }
.LBB1_3:
0x51: {  	p1 =	sne.s32 s21, $0x1FC;
	v5 =	vld [tilespmem:s17+$0xFFFFFFD0];
	[tilespmem:s18+$0x2040 ss:$0x81] =	vst.msk $0xffff, v4  }
0x52: {  	v6 =	vld [tilespmem:s17+$0xFFFFFFE0];
	[tilespmem:s18+$0x2850 ss:$0x81] =	vst.msk $0xffff, v3  }
0x53: {  	s22 =	sshra.s32 s20, $0x2;
	s20 =	smov.u32 s21;
	v7 =	vld [tilespmem:s17+$0xFFFFFFF0];
	[tilespmem:s18+$0x3060 ss:$0x81] =	vst.msk $0xffff, v2  }
.Ltmp3:
0x54: {  	v4 =	vld [tilespmem:s17+$0x0];
	[tilespmem:s18+$0x0 ss:$0x81] =	vst.msk $0xffff, v1;
	s18 =	sadd.s32 s22, s19;
	(pc) =	sbr.rel @p1 .LBB1_3-.Ltmp3, $4  }
0x55: {  	v3 =	vld [tilespmem:s17+$0x10];
	[tilespmem:s18+$0x3870 ss:$0x81] =	vst.msk $0xffff, v0  }
0x56: {  	[tilespmem:s18+$0x810 ss:$0x81] =	vst.msk $0xffff, v5;
	v2 =	vld [tilespmem:s17+$0x20]  }
0x57: {  	v1 =	vld [tilespmem:s17+$0xFFFFFFC0];
	[tilespmem:s18+$0x1020 ss:$0x81] =	vst.msk $0xffff, v6;
	s17 =	sadd.s32 $0x80, s17  }
0x58: {  	s21 =	sadd.s32 $0x4, s21;
	v0 =	vld [tilespmem:s17+$0x30];
	[tilespmem:s18+$0x1830 ss:$0x81] =	vst.msk $0xffff, v7  }
.Ltmp4:
0x59: {  	_ = 	snop;
	(pc) =	sbr.rel .LBB1_4-.Ltmp4, $1  }
0x5a: {  	_ =	sdelay $0x3  }
.LBB1_6:
0x5b: {  	_ =	sfence.sel $0x180000  }
0x5c: {  	s2 =	simm.s32 $0x1;
	[bflag:$0x0] =	sbarrier.arrive $0xFFFF  }
0x5d: {  	s31 =	simm.s32 $0x2;
	[sflag:s2] =	ssyncpa.u1 $0x1  }
0x5e: {  	[sflag:s31] =	ssyncpa.u1 $0x1  }
0x5f: {  	p0 =	sne.s32 s0, $0x0;
	_ =	strace $0x90000047  }
0x60: {  	s0 =	sadd.s32 @!p0 $0x100000, s1;
	[bflag:$0x2] =	sbarrier.arrive $0xFFFF  }
0x61: {  	[sflag:s0] =	ssyncadd.tile.s32 @!p0 $0x1;
	_ =	shalt  }
.Lfunc_end1:
_tile_overlayer_lowered:
.L_overlay_start_2:
0x62: {  	(tag) =	ssettag $0x2  }
0x63: {  	s0 =	rddreg [dreg:$0x0];
	s2 =	stileid.u32  }
0x64: {  	s1 =	rddreg [dreg:$0x1];
	p0 =	sne.s32 s2, $0x0  }
0x65: {  	s3 =	rddreg [dreg:$0x2];
	[bflag:$0x3] =	sbarrier.arrive $0xFFFF;
	s2 =	simm.s32 @!p0 $0x1C01  }
0x66: {  	[timem:s3], [sflag:s2] =	dma.local @!p0 [hbm:s0], s1  }
0x67: {  	s0 =	simm.s32 @!p0 $0x1  }
0x68: {  	_ =	swait.ge @!p0 [sflag:s0], s1  }
0x69: {  	s1 =	ssub.s32 @!p0 $0x0, s1;
	[sflag:s0] =	ssyncset.done @!p0 $0x0  }
0x6a: {  	[sflag:s0] =	ssyncadd.s32 @!p0 s1  }
0x6b: {  	[bflag:$0x3] =	sbarrier.arrive $0xFFFF  }
0x6c: {  	_ =	shalt  }

// kernel: sparse-core-data-format-call.cloned.1.call-start
scs
called_computation_lowered:
.L_overlay_start_0:
0x0: {  	s1 =	sld [smem:$0x3FD9]  }
0x1: {  	s2 =	sld [smem:$0x3FFE];
	_ =	sdelay $0x1  }
0x2: {  	s3 =	srdreg.scid  }
0x3: {  	s0 =	sand.u32 $0x1, s3  }
0x4: {  	s17 =	sshll.u32 s0, $0xA;
	s1 =	sadd.s32 s2, s1  }
0x5: {  	s1 =	sadd.s32 s1, s17  }
0x6: {  	[smem:$0x3FC2] =	sst s1  }
0x7: {  	_ = 	snop  }
0x8: {  	(tm) =	ssettm $0x1  }
0x9: {  	s18 =	sld [smem:$0x3FFB];
	_ =	sdelay $0x3  }
0xa: {  	_ =	strace s18  }
0xb: {  	s1 =	sld [smem:$0x3FFC];
	_ =	sdelay $0x3  }
0xc: {  	_ =	strace s1  }
0xd: {  	s1 =	sld [smem:$0x3FFD];
	_ =	sdelay $0x3  }
0xe: {  	_ =	strace s1  }
0xf: {  	_ =	strace $0x8FFFFFFF  }
0x10: {  	s19 =	sld [smem:$0x3FDB];
	_ =	sdelay $0x1  }
0x11: {  	s20 =	simm.s32 $_scs_section_size  }
0x12: {  	s4 =	simm.s32 $_size__tile_overlayer_lowered;
	s5 =	simm.s32 $_tile_overlayer_lowered  }
0x13: {  	s23 =	simm.s32 $0x1BFF;
	s22 =	sshll.u32 s5, $0x1;
	s1 =	sadd.s32 s20, s19  }
0x14: {  	s6 =	simm.s32 $0x0;
	s21 =	sshll.u32 s4, $0x1;
	s4 =	sadd.s32 s22, s1  }
0x15: {  	[timem:s6], [sflag:s23] =	dma.local [hbm:s4], s21  }
0x16: {  	_ =	swait.ge [sflag:s23], s21  }
0x17: {  	s2 =	ssub.s32 $0x0, s21;
	[sflag:s23] =	ssyncset.done $0x0  }
0x18: {  	[sflag:s23] =	ssyncadd.s32 s2;
	_ =	sdelay $0x1  }
0x19: {  	s24 =	simm.s32 $0x1B8B  }
0x1a: {  	_ =	swait.ge [sflag:s24], $0x1  }
0x1b: {  	[sflag:s24] =	ssyncset.done $0x0  }
0x1c: {  	s26 =	simm.s32 $0x1B8E;
	s25 =	sld [smem:$0x3FFE];
	[sflag:s24] =	ssyncadd.s32 $0xFFFFFFFF  }
0x1d: {  	s27 =	simm.s32 $execute0_lowered;
	[smem:$0x3FD2] =	sst s26  }
0x1e: {  	s4 =	sshll.u32 s27, $0x1;
	_ =	strace $0x80000049;
	[dreg:$0x1] =	wrdreg $0xFFFFFFFF  }
0x1f: {  	s28 =	simm.s32 $_size_execute0_lowered;
	s1 =	sadd.s32 s1, s4;
	[dreg:$0x0] =	wrdreg $0x0  }
0x20: {  	s4 =	sshll.u32 s28, $0x1;
	[dreg:$0x2] =	wrdreg s1  }
0x21: {  	[dreg:$0x3] =	wrdreg s4  }
0x22: {  	[dreg:$0x4] =	wrdreg $0xC0  }
0x23: {  	_ =	task [dreg:s6], $0x5FFFF  }
0x24: {  	[dreg:$0x1] =	wrdreg $0xFFFFFFFF  }
0x25: {  	[dreg:$0x0] =	wrdreg $0x60  }
0x26: {  	[dreg:$0x2] =	wrdreg s25  }
0x27: {  	[dreg:$0x3] =	wrdreg $0x9  }
0x28: {  	_ =	task.clear_ibuf [dreg:s6], $0x4FFFF;
	_ =	strace $0x90000049  }
0x29: {  	s29 =	simm.s32 $0x9;
	_ =	strace $0x8000004B  }
0x2a: {  	_ =	swait.ge [sflag:s29], $0x1  }
0x2b: {  	[sflag:s29] =	ssyncadd.s32 $0xFFFFFFFF  }
0x2c: {  	_ =	strace $0x9000004B  }
0x2d: {  	_ =	sfence  }
0x2e: {  	s30 =	sld [smem:$0x0];
	_ =	sdelay $0x2  }
0x2f: {  	s31 =	sshll.u32 s3, $0xD;
	s3 =	sshrl.u32 s3, $0x2  }
0x30: {  	s2 =	sand.u32 $0x4000, s31;
	s1 =	sadd.s32 s3, s30  }
0x31: {  	s0 =	sor.u32 s2, s0;
	s1 =	sshll.u32 s1, $0x11  }
0x32: {  	s0 =	sor.u32 s1, s0  }
0x33: {  	s0 =	sadd.s32 $0x8F2B, s0  }
0x34: {  	[sflag:s0] =	ssyncadd.remote.s32 $0x1  }
0x35: {  	_ =	sfence.sel $0xFFFF  }
0x36: {  	[dreg:$0x0] =	wrdreg $0xFFFFFFFF;
	(pc) =	sbr.abs _section_cstart, $3  }
0x37: {  	[dreg:$0x1] =	wrdreg $0xFFFFFFFF  }
0x38: {  	_ =	task.clear_ibuf [dreg:s6], $0x2FFFF;
	_ =	strace $0x9FFFFFFF  }
0x39: {  	(tm) =	ssettm $0x7FFFFFFF  }
tec
execute0_lowered:
.L_overlay_start_1:
0x0: {  	(tag) =	ssettag $0x1  }
0x1: {  	s0 =	stileid.u32;
	s1 =	srdreg.scid  }
0x2: {  	s7 =	rddreg [dreg:$0x0];
	s31 =	simm.s32 $0x2;
	s14 =	simm.s32 $0x0  }
0x3: {  	s13 =	simm.s32 $0x0;
	s12 =	simm.s32 $0x0;
	s2 =	sshll.u32 s0, $0x7  }
0x4: {  	s3 =	sshll.u32 s0, $0x4;
	s1 =	sshll.u32 s1, $0x8;
	s2 =	sand.u32 $0x380, s2  }
0x5: {  	s3 =	sor.u32 s3, s1;
	s1 =	rddreg [dreg:$0x1];
	_ =	strace $0x8000004A  }
0x6: {  	s3 =	sand.u32 $0x180, s3;
	s4 =	ssub.s32 $0x400, s2;
	s11 =	smov.u32 s2  }
0x7: {  	s5 =	sand.u32 $0x380, s4;
	s6 =	ssub.s32 $0x10000, s3;
	s9 =	sshrl.u32 s4, $0xA  }
0x8: {  	p0 =	sne.s32 s5, $0x0;
	s5 =	simm.s32 $0x1;
	s8 =	sand.u32 $0x180, s6  }
0x9: {  	s5 =	simm.s32 @!p0 $0x0;
	p0 =	sne.s32 s8, $0x0;
	s8 =	simm.s32 $0x1  }
.Ltmp0:
0xa: {  	s6 =	sshrl.u32 s6, $0x9;
	s8 =	simm.s32 @!p0 $0x0;
	(pc) =	sbr.rel .LBB1_1-.Ltmp0, $4  }
0xb: {  	s4 =	simm.s32 $0x1;
	s5 =	sadd.s32 s5, s9;
	s6 =	sadd.s32 s8, s6  }
0xc: {  	s10 =	smov.u32 s3;
	[sflag:s4] =	ssyncpa.u1 $0x0;
	s5 =	smul.u32 s5, s6  }
0xd: {  	[sflag:s31] =	ssyncpa.u1 $0x0;
	p0 =	por $0x0, $0x0;
	s9 =	simm.s32 $0x2000  }
0xe: {  	s6 =	sadd.s32 $0xCC0200, s7;
	s7 =	sadd.s32 $0x14C0200, s7;
	s8 =	sadd.s32 $0x1, s5  }
.LBB1_4:
0xf: {  	v5 =	vld [tilespmem:s18+$0xFFFFFFD0];
	[tilespmem:s17+$0x2040 ss:$0x81] =	vst.msk $0xffff, v1  }
0x10: {  	v58 =	vld [tilespmem:s18+$0xFFFFFFE0];
	[tilespmem:s17+$0x2850 ss:$0x81] =	vst.msk $0xffff, v2  }
0x11: {  	s19 =	sshra.s32 s19, $0x2;
	v59 =	vld [tilespmem:s18+$0xFFFFFFF0];
	[tilespmem:s17+$0x3060 ss:$0x81] =	vst.msk $0xffff, v3  }
0x12: {  	v60 =	vld [tilespmem:s18+$0x0];
	[tilespmem:s17+$0x0 ss:$0x81] =	vst.msk $0xffff, v0;
	s16 =	sadd.s32 s19, s16  }
0x13: {  	v61 =	vld [tilespmem:s18+$0x10];
	[tilespmem:s16+$0x3870 ss:$0x81] =	vst.msk $0xffff, v4  }
0x14: {  	v62 =	vld [tilespmem:s18+$0x20];
	s26 =	sshll.u32 s14, $0xA;
	s27 =	sshll.u32 s13, $0x3;
	[tilespmem:s16+$0x810 ss:$0x81] =	vst.msk $0xffff, v5  }
0x15: {  	v63 =	vld [tilespmem:s18+$0xFFFFFFC0];
	s29 =	sshll.u32 s14, $0x7;
	s17 =	sand.u32 $0x3FFE000, s26;
	s28 =	sand.u32 $0x3FFFC00, s27;
	[tilespmem:s16+$0x1020 ss:$0x81] =	vst.msk $0xffff, v58  }
0x16: {  	s30 =	sand.u32 $0x78, s13;
	s14 =	sand.u32 $0x380, s29;
	s17 =	sadd.s32 s28, s17;
	[tilespmem:s16+$0x1830 ss:$0x81] =	vst.msk $0xffff, v59  }
0x17: {  	s14 =	sor.u32 s30, s14;
	s17 =	sand.u32 $0x3FFFC00, s17;
	[tilespmem:s16+$0x2040 ss:$0x81] =	vst.msk $0xffff, v60  }
0x18: {  	s31 =	sand.u32 $0x7, s13;
	s14 =	sor.u32 s17, s14;
	[tilespmem:s16+$0x2850 ss:$0x81] =	vst.msk $0xffff, v61  }
0x19: {  	s13 =	sshll.u32 s31, $0x12;
	[tilespmem:s16+$0x3060 ss:$0x81] =	vst.msk $0xffff, v62;
	s14 =	sshrl.u32 s14, $0x3  }
0x1a: {  	s13 =	sor.u32 $0x400, s13;
	[tilespmem:s16+$0x0 ss:$0x81] =	vst.msk $0xffff, v63;
	s14 =	sadd.s32 s7, s14  }
0x1b: {  	[hbm4b:s14+s13] =	stream.strided.scatter [tilespmem:s15], [sflag:$0x2], $0x4000, s9, s13, $0x20;
	[tilespmem:$0x10100] =	vst v63  }
.LBB1_5:
0x1c: {  	s15 =	sadd.s32 $0x200, s10  }
0x1d: {  	s13 =	sadd.s32 $0x400, s11;
	s17 =	smov.u32 s11;
	p2 =	sgt.s32 s15, $0xFFFF  }
0x1e: {  	s17 =	smov.u32 @p2 s13  }
0x1f: {  	s15 =	smov.u32 @p2 s3;
	p2 =	sgt.s32 s17, $0x3FF  }
0x20: {  	s17 =	smov.u32 @p2 s2;
	p2 =	sne.s32 s12, s8  }
.Ltmp1:
0x21: {  	p1 =	slt.u32 s12, $0x2;
	(pc) =	sbr.rel @!p2 .LBB1_6-.Ltmp1, $4  }
0x22: {  	s16 =	simm.s32 @!p1 $0x2  }
0x23: {  	s14 =	smov.u32 s10;
	p0 =	por !p0, !p0;
	_ =	swait.ge @!p1 [sflag:s16], $0x4000  }
0x24: {  	s13 =	smov.u32 s11;
	[sflag:s16] =	ssyncset.done @!p1 $0x0;
	s10 =	smov.u32 s15  }
0x25: {  	s12 =	sadd.s32 $0x1, s12;
	[sflag:s16] =	ssyncadd.s32 @!p1 $0xFFFFC000;
	s11 =	smov.u32 s17  }
.LBB1_1:
0x26: {  	p1 =	sge.u32 s12, s5;
	s31 =	sadd.s32 $0xFFFFFFFF, s12  }
0x27: {  	s15 =	sand.u32 @!p1 $0x78, s10;
	s16 =	sshll.u32 @!p1 s11, $0x10;
	s17 =	sshll.u32 @!p1 s11, $0x7  }
0x28: {  	s18 =	sshll.u32 @!p1 s10, $0x3;
	s16 =	sand.u32 @!p1 $0x3F80000, s16;
	s17 =	sand.u32 @!p1 $0x380, s17  }
0x29: {  	s16 =	sadd.s32 @!p1 s16, s18;
	s18 =	sand.u32 @!p1 $0xFC00, s18;
	s15 =	sor.u32 @!p1 s17, s15  }
0x2a: {  	s17 =	sxor.u32 @!p1 $0xFFFFFFFF, s12;
	s16 =	sand.u32 @!p1 $0x3FF0000, s16;
	s15 =	sor.u32 @!p1 s18, s15  }
0x2b: {  	s17 =	sshll.u32 @!p1 s17, $0xE;
	s15 =	sor.u32 @!p1 s16, s15;
	s16 =	sand.u32 @!p1 $0x7, s10  }
0x2c: {  	s18 =	simm.s32 @!p1 $0x80000;
	s15 =	sshrl.u32 @!p1 s15, $0x3;
	s16 =	sshll.u32 @!p1 s16, $0x12  }
0x2d: {  	s17 =	sand.u32 @!p1 $0x4000, s17;
	s15 =	sadd.s32 @!p1 s6, s15;
	s16 =	sor.u32 @!p1 $0x400, s16  }
0x2e: {  	[tilespmem:s17], [sflag:$0x1] =	stream.strided.gather @!p1 [hbm4b:s15+s16], $0x4000, s18, s16, $0x38;
	[tilespmem:$0x10100] =	vst v63  }
0x2f: {  	p1 =	sge.u32 s31, s5  }
.Ltmp2:
0x30: {  	_ = 	snop;
	(pc) =	sbr.rel @p1 .LBB1_5-.Ltmp2, $1  }
0x31: {  	_ =	sdelay $0x3  }
0x32: {  	s15 =	simm.s32 $0x1  }
0x33: {  	_ =	swait.ge [sflag:s4], $0x4000;
	s15 =	simm.s32 @!p0 $0x0  }
0x34: {  	[sflag:s4] =	ssyncset.done $0x0;
	s16 =	sshll.u32 s15, $0xE  }
0x35: {  	[sflag:s4] =	ssyncadd.s32 $0xFFFFC000;
	s18 =	sor.u32 $0x40, s16  }
0x36: {  	s15 =	smul.u32 $0x10200, s15;
	v0 =	vld [tilespmem:s18+$0x30]  }
0x37: {  	v3 =	vld [tilespmem:s18+$0xFFFFFFD0]  }
0x38: {  	s15 =	sshrl.u32 s15, $0x2;
	v4 =	vld [tilespmem:s18+$0xFFFFFFE0]  }
0x39: {  	v5 =	vld [tilespmem:s18+$0xFFFFFFF0];
	s16 =	sor.u32 $0x8000, s15  }
0x3a: {  	s31 =	sand.u32 $0x1, s12;
	v1 =	vld [tilespmem:s18+$0x0];
	s17 =	sadd.s32 $0x0, s16  }
0x3b: {  	v2 =	vld [tilespmem:s18+$0x10];
	s15 =	smul.u32 $0x10200, s31;
	[tilespmem:s17+$0x3870 ss:$0x81] =	vst.msk $0xffff, v0  }
0x3c: {  	[tilespmem:s17+$0x810 ss:$0x81] =	vst.msk $0xffff, v3;
	v3 =	vld [tilespmem:s18+$0x20]  }
0x3d: {  	s15 =	sshrl.u32 s15, $0x2;
	v0 =	vld [tilespmem:s18+$0xFFFFFFC0];
	[tilespmem:s17+$0x1020 ss:$0x81] =	vst.msk $0xffff, v4;
	s18 =	sadd.s32 $0x80, s18  }
0x3e: {  	s19 =	simm.s32 $0x4;
	s20 =	simm.s32 $0x8;
	s15 =	sor.u32 $0x8000, s15;
	[tilespmem:s17+$0x1830 ss:$0x81] =	vst.msk $0xffff, v5;
	v4 =	vld [tilespmem:s18+$0x30]  }
.LBB1_3:
0x3f: {  	p1 =	sne.s32 s20, $0x1FC;
	v5 =	vld [tilespmem:s18+$0xFFFFFFD0];
	[tilespmem:s17+$0x2040 ss:$0x81] =	vst.msk $0xffff, v1  }
0x40: {  	v6 =	vld [tilespmem:s18+$0xFFFFFFE0];
	[tilespmem:s17+$0x2850 ss:$0x81] =	vst.msk $0xffff, v2  }
0x41: {  	s21 =	sshra.s32 s19, $0x2;
	s19 =	smov.u32 s20;
	v7 =	vld [tilespmem:s18+$0xFFFFFFF0];
	[tilespmem:s17+$0x3060 ss:$0x81] =	vst.msk $0xffff, v3  }
.Ltmp3:
0x42: {  	v1 =	vld [tilespmem:s18+$0x0];
	[tilespmem:s17+$0x0 ss:$0x81] =	vst.msk $0xffff, v0;
	s17 =	sadd.s32 s21, s16;
	(pc) =	sbr.rel @p1 .LBB1_3-.Ltmp3, $4  }
0x43: {  	v2 =	vld [tilespmem:s18+$0x10];
	[tilespmem:s17+$0x3870 ss:$0x81] =	vst.msk $0xffff, v4  }
0x44: {  	[tilespmem:s17+$0x810 ss:$0x81] =	vst.msk $0xffff, v5;
	v3 =	vld [tilespmem:s18+$0x20]  }
0x45: {  	v0 =	vld [tilespmem:s18+$0xFFFFFFC0];
	[tilespmem:s17+$0x1020 ss:$0x81] =	vst.msk $0xffff, v6;
	s18 =	sadd.s32 $0x80, s18  }
0x46: {  	s20 =	sadd.s32 $0x4, s20;
	v4 =	vld [tilespmem:s18+$0x30];
	[tilespmem:s17+$0x1830 ss:$0x81] =	vst.msk $0xffff, v7  }
.Ltmp4:
0x47: {  	_ = 	snop;
	(pc) =	sbr.rel .LBB1_4-.Ltmp4, $1  }
0x48: {  	_ =	sdelay $0x3  }
.LBB1_6:
0x49: {  	_ =	sfence.sel $0x180000  }
0x4a: {  	s2 =	simm.s32 $0x1;
	[bflag:$0x0] =	sbarrier.arrive $0xFFFF  }
0x4b: {  	s31 =	simm.s32 $0x2;
	[sflag:s2] =	ssyncpa.u1 $0x1  }
0x4c: {  	[sflag:s31] =	ssyncpa.u1 $0x1  }
0x4d: {  	p0 =	sne.s32 s0, $0x0;
	_ =	strace $0x9000004A  }
0x4e: {  	s0 =	sadd.s32 @!p0 $0x100000, s1;
	[bflag:$0x2] =	sbarrier.arrive $0xFFFF  }
0x4f: {  	[sflag:s0] =	ssyncadd.tile.s32 @!p0 $0x1;
	_ =	shalt  }
.Lfunc_end1:
_tile_overlayer_lowered:
.L_overlay_start_2:
0x50: {  	(tag) =	ssettag $0x2  }
0x51: {  	s0 =	rddreg [dreg:$0x0];
	s2 =	stileid.u32  }
0x52: {  	s1 =	rddreg [dreg:$0x1];
	p0 =	sne.s32 s2, $0x0  }
0x53: {  	s3 =	rddreg [dreg:$0x2];
	[bflag:$0x3] =	sbarrier.arrive $0xFFFF;
	s2 =	simm.s32 @!p0 $0x1C01  }
0x54: {  	[timem:s3], [sflag:s2] =	dma.local @!p0 [hbm:s0], s1  }
0x55: {  	s0 =	simm.s32 @!p0 $0x1  }
0x56: {  	_ =	swait.ge @!p0 [sflag:s0], s1  }
0x57: {  	s1 =	ssub.s32 @!p0 $0x0, s1;
	[sflag:s0] =	ssyncset.done @!p0 $0x0  }
0x58: {  	[sflag:s0] =	ssyncadd.s32 @!p0 s1  }
0x59: {  	[bflag:$0x3] =	sbarrier.arrive $0xFFFF  }
0x5a: {  	_ =	shalt  }

</sc_bundles>
